<compile_context>
chip_gen: v7x
topology: tpu7x:2x2x1
jax: 0.10.2.dev20260603
libtpu: 0.0.44.dev20260713+nightly
codegen_flags: <defaults>
</compile_context>

<pallas_src>
import jax
import jax.numpy as jnp
from jax import lax
from jax.experimental import pallas as pl
from jax.experimental.pallas import tpu as pltpu
from jax.experimental.pallas import tpu_sc as plsc

NODE_NUM = 100000
EMBED_DIM = 128
BATCH = 16384
HIST = 50

NC = 2
NS = 16
NW = NC * NS

TOTAL = BATCH * HIST
PER_W = TOTAL // NW
CHUNK = 128
NCHUNK = PER_W // CHUNK
CPH = BATCH // CHUNK

NBUF = 7
PREF = 4
PREF2 = 6
NIDX = 8


def _body(tt_hbm, w_hbm, out_hbm, idx_v, buf_v, isems, gsems, wsems):
    wid = lax.axis_index("s") * NC + lax.axis_index("c")
    base = wid * PER_W
    out_flat = out_hbm.reshape(TOTAL, EMBED_DIM)

    def stage(c):
        gc = wid * NCHUNK + c
        h = lax.div(gc, CPH)
        b0 = lax.rem(gc, CPH) * CHUNK
        s = lax.rem(c, NIDX)
        pltpu.make_async_copy(
            tt_hbm.at[h, pl.ds(b0, CHUNK)], idx_v.at[s], isems.at[s]
        ).start()

    def gather(g, bg):
        s = lax.rem(g, NIDX)
        pltpu.make_async_copy(
            tt_hbm.at[0, pl.ds(0, CHUNK)], idx_v.at[s], isems.at[s]
        ).wait()
        pltpu.make_async_copy(
            w_hbm.at[idx_v.at[s]], buf_v.at[bg], gsems.at[bg]
        ).start()

    for c in range(PREF2):
        stage(c)
    for g in range(PREF):
        gather(g, g)

    def step(j, carry):
        b = lax.rem(j, NBUF)
        pltpu.make_async_copy(
            w_hbm.at[idx_v.at[0]], buf_v.at[b], gsems.at[b]
        ).wait()
        pltpu.make_async_copy(
            buf_v.at[b], out_flat.at[pl.ds(base + j * CHUNK, CHUNK)], wsems.at[b]
        ).start()
        g = j + PREF

        @pl.when(g < NCHUNK)
        def _():
            bg = lax.rem(g, NBUF)

            @pl.when(g >= NBUF)
            def _():
                pltpu.make_async_copy(
                    buf_v.at[bg],
                    out_flat.at[pl.ds(base + (g - NBUF) * CHUNK, CHUNK)],
                    wsems.at[bg],
                ).wait()

            gather(g, bg)

        c = j + PREF2

        @pl.when(c < NCHUNK)
        def _():
            stage(c)

        return carry

    lax.fori_loop(0, NCHUNK, step, 0)

    for t in range(NBUF):
        j = NCHUNK - NBUF + t
        b = j % NBUF
        pltpu.make_async_copy(
            buf_v.at[b], out_flat.at[pl.ds(base + j * CHUNK, CHUNK)], wsems.at[b]
        ).wait()


@jax.jit
def _run(targ, W):
    tt = targ.T
    mesh = plsc.VectorSubcoreMesh(core_axis_name="c", subcore_axis_name="s")
    k = pl.kernel(
        _body,
        out_type=jax.ShapeDtypeStruct((HIST, BATCH, EMBED_DIM), jnp.float32),
        mesh=mesh,
        compiler_params=pltpu.CompilerParams(use_tc_tiling_on_sc=True),
        scratch_types=[
            pltpu.VMEM((NIDX, CHUNK), jnp.int32),
            pltpu.VMEM((NBUF, CHUNK, EMBED_DIM), jnp.float32),
            pltpu.SemaphoreType.DMA((NIDX,)),
            pltpu.SemaphoreType.DMA((NBUF,)),
            pltpu.SemaphoreType.DMA((NBUF,)),
        ],
    )
    out_t = k(tt, W)
    return jnp.transpose(out_t, (1, 0, 2))


def kernel(targ, W):
    return _run(targ.astype(jnp.int32), W)

# --- scband reference (transcript-rebuilt; emitter-appended) ---
"""Pipeline reference for scband-node-embedding-net-33311766348278 (READ-ONLY COPY).

The authoritative reference and input builder live on the scoring server;
editing this copy changes nothing except your own understanding.
"""

import jax, jax.numpy as jnp
import numpy as np

NODE_NUM = 100000
EMBED_DIM = 128
BATCH = 16384
HIST = 50

def setup_inputs(seed: int = 0) -> dict:
    key = jax.random.key(seed)
    k_idx, k_w = jax.random.split(key)
    targ = jax.random.randint(k_idx, (BATCH, HIST), 0, NODE_NUM, dtype=jnp.int64 if jax.config.read('jax_enable_x64') else jnp.int32)
    # nn.Embedding default init: N(0, 1)
    W = jax.random.normal(k_w, (NODE_NUM, EMBED_DIM), dtype=jnp.float32)
    return {"targ": targ, "W": W}

def reference(targ, W):
    # nn.Embedding lookup: emb = self.em(targ)
    emb = jnp.take(W, targ, axis=0)
    return emb

if __name__ == "__main__":
    import jax
    _d = setup_inputs()
    print(jax.jit(kernel)(*tuple(_d.values())))

</pallas_src>

<mosaic_0001>
#map = affine_map<(d0, d1) -> (0, 0)>
#map1 = affine_map<(d0, d1) -> (0, 0, 0)>
module attributes {stable_mosaic.version = 14 : i64} {
  func.func @_body(%arg0: i32, %arg1: i32, %arg2: memref<50x16384xi32, #tpu.memory_space<hbm>>, %arg3: memref<100000x128xf32, #tpu.memory_space<hbm>>, %arg4: memref<50x16384x128xf32, #tpu.memory_space<hbm>>, %arg5: memref<8x128xi32, #tpu.memory_space<vmem>>, %arg6: memref<7x128x128xf32, #tpu.memory_space<vmem>>, %arg7: memref<8x!tpu.dma_semaphore, #tpu.memory_space<semaphore_mem>>, %arg8: memref<7x!tpu.dma_semaphore, #tpu.memory_space<semaphore_mem>>, %arg9: memref<7x!tpu.dma_semaphore, #tpu.memory_space<semaphore_mem>>) attributes {dimension_semantics = [#tpu.dimension_semantics<core_parallel>, #tpu.dimension_semantics<subcore_parallel>], iteration_bounds = array<i64: 2, 16>, scalar_prefetch = 0 : i64, scratch_operands = 5 : i64, tpu.core_type = #tpu.core_type<sc_vector_subcore>, window_params = [{transform_indices = #map}, {transform_indices = #map}, {transform_indices = #map1}]} {
    %mul3A = arith.constant 2 : i32
    %mul3A_0 = arith.muli %arg1, %mul3A : i32
    %add3A = arith.addi %mul3A_0, %arg0 : i32
    %mul3A_1 = arith.constant 25600 : i32
    %mul3A_2 = arith.muli %add3A, %mul3A_1 : i32
    %mul3A_3 = arith.constant 200 : i32
    %mul3A_4 = arith.muli %add3A, %mul3A_3 : i32
    %add3A_5 = arith.constant 0 : i32
    %add3A_6 = arith.addi %mul3A_4, %add3A_5 : i32
    %div3A = arith.constant 128 : i32
    %div3A_7 = arith.divsi %add3A_6, %div3A : i32
    %rem3A = arith.constant 128 : i32
    %rem3A_8 = arith.remsi %add3A_6, %rem3A : i32
    %mul3A_9 = arith.constant 128 : i32
    %mul3A_10 = arith.muli %rem3A_8, %mul3A_9 : i32
    %rem3A_11 = arith.constant 0 : i32
    %rem3A_12 = arith.constant 8 : i32
    %rem3A_13 = arith.remsi %rem3A_11, %rem3A_12 : i32
    %dma_start3A = arith.constant 0 : i32
    %dma_start3A_14 = tpu.memref_slice %arg5[%rem3A_13, %dma_start3A] : memref<8x128xi32, #tpu.memory_space<vmem>> -> memref<1x128xi32, #tpu.memory_space<vmem>>
    %dma_start3A_15 = tpu.memref_squeeze %dma_start3A_14 : memref<1x128xi32, #tpu.memory_space<vmem>> -> memref<128xi32, #tpu.memory_space<vmem>>
    %dma_start3A_16 = tpu.memref_slice %arg2[%div3A_7, %mul3A_10] : memref<50x16384xi32, #tpu.memory_space<hbm>> -> memref<1x128xi32, #tpu.memory_space<hbm>>
    %dma_start3A_17 = tpu.memref_squeeze %dma_start3A_16 : memref<1x128xi32, #tpu.memory_space<hbm>> -> memref<128xi32, #tpu.memory_space<hbm>>
    %dma_start3A_18 = tpu.memref_slice %arg7[%rem3A_13] : memref<8x!tpu.dma_semaphore, #tpu.memory_space<semaphore_mem>> -> memref<1x!tpu.dma_semaphore, #tpu.memory_space<semaphore_mem>>
    %dma_start3A_19 = tpu.memref_squeeze %dma_start3A_18 : memref<1x!tpu.dma_semaphore, #tpu.memory_space<semaphore_mem>> -> memref<!tpu.dma_semaphore, #tpu.memory_space<semaphore_mem>>
    %dma_start3A_20 = arith.constant 0 : i32
    %dma_start3A_21 = tpu.memref_slice %arg5[%rem3A_13, %dma_start3A_20] : memref<8x128xi32, #tpu.memory_space<vmem>> -> memref<1x128xi32, #tpu.memory_space<vmem>>
    %dma_start3A_22 = tpu.memref_squeeze %dma_start3A_21 : memref<1x128xi32, #tpu.memory_space<vmem>> -> memref<128xi32, #tpu.memory_space<vmem>>
    %dma_start3A_23 = tpu.memref_slice %arg2[%div3A_7, %mul3A_10] : memref<50x16384xi32, #tpu.memory_space<hbm>> -> memref<1x128xi32, #tpu.memory_space<hbm>>
    %dma_start3A_24 = tpu.memref_squeeze %dma_start3A_23 : memref<1x128xi32, #tpu.memory_space<hbm>> -> memref<128xi32, #tpu.memory_space<hbm>>
    tpu.enqueue_dma source(%dma_start3A_24 : memref<128xi32, #tpu.memory_space<hbm>>) target(%dma_start3A_22 : memref<128xi32, #tpu.memory_space<vmem>>) target_semaphore(%dma_start3A_19 : memref<!tpu.dma_semaphore, #tpu.memory_space<semaphore_mem>>)
    %mul3A_25 = arith.constant 200 : i32
    %mul3A_26 = arith.muli %add3A, %mul3A_25 : i32
    %add3A_27 = arith.constant 1 : i32
    %add3A_28 = arith.addi %mul3A_26, %add3A_27 : i32
    %div3A_29 = arith.constant 128 : i32
    %div3A_30 = arith.divsi %add3A_28, %div3A_29 : i32
    %rem3A_31 = arith.constant 128 : i32
    %rem3A_32 = arith.remsi %add3A_28, %rem3A_31 : i32
    %mul3A_33 = arith.constant 128 : i32
    %mul3A_34 = arith.muli %rem3A_32, %mul3A_33 : i32
    %rem3A_35 = arith.constant 1 : i32
    %rem3A_36 = arith.constant 8 : i32
    %rem3A_37 = arith.remsi %rem3A_35, %rem3A_36 : i32
    %dma_start3A_38 = arith.constant 0 : i32
    %dma_start3A_39 = tpu.memref_slice %arg5[%rem3A_37, %dma_start3A_38] : memref<8x128xi32, #tpu.memory_space<vmem>> -> memref<1x128xi32, #tpu.memory_space<vmem>>
    %dma_start3A_40 = tpu.memref_squeeze %dma_start3A_39 : memref<1x128xi32, #tpu.memory_space<vmem>> -> memref<128xi32, #tpu.memory_space<vmem>>
    %dma_start3A_41 = tpu.memref_slice %arg2[%div3A_30, %mul3A_34] : memref<50x16384xi32, #tpu.memory_space<hbm>> -> memref<1x128xi32, #tpu.memory_space<hbm>>
    %dma_start3A_42 = tpu.memref_squeeze %dma_start3A_41 : memref<1x128xi32, #tpu.memory_space<hbm>> -> memref<128xi32, #tpu.memory_space<hbm>>
    %dma_start3A_43 = tpu.memref_slice %arg7[%rem3A_37] : memref<8x!tpu.dma_semaphore, #tpu.memory_space<semaphore_mem>> -> memref<1x!tpu.dma_semaphore, #tpu.memory_space<semaphore_mem>>
    %dma_start3A_44 = tpu.memref_squeeze %dma_start3A_43 : memref<1x!tpu.dma_semaphore, #tpu.memory_space<semaphore_mem>> -> memref<!tpu.dma_semaphore, #tpu.memory_space<semaphore_mem>>
    %dma_start3A_45 = arith.constant 0 : i32
    %dma_start3A_46 = tpu.memref_slice %arg5[%rem3A_37, %dma_start3A_45] : memref<8x128xi32, #tpu.memory_space<vmem>> -> memref<1x128xi32, #tpu.memory_space<vmem>>
    %dma_start3A_47 = tpu.memref_squeeze %dma_start3A_46 : memref<1x128xi32, #tpu.memory_space<vmem>> -> memref<128xi32, #tpu.memory_space<vmem>>
    %dma_start3A_48 = tpu.memref_slice %arg2[%div3A_30, %mul3A_34] : memref<50x16384xi32, #tpu.memory_space<hbm>> -> memref<1x128xi32, #tpu.memory_space<hbm>>
    %dma_start3A_49 = tpu.memref_squeeze %dma_start3A_48 : memref<1x128xi32, #tpu.memory_space<hbm>> -> memref<128xi32, #tpu.memory_space<hbm>>
    tpu.enqueue_dma source(%dma_start3A_49 : memref<128xi32, #tpu.memory_space<hbm>>) target(%dma_start3A_47 : memref<128xi32, #tpu.memory_space<vmem>>) target_semaphore(%dma_start3A_44 : memref<!tpu.dma_semaphore, #tpu.memory_space<semaphore_mem>>)
    %mul3A_50 = arith.constant 200 : i32
    %mul3A_51 = arith.muli %add3A, %mul3A_50 : i32
    %add3A_52 = arith.constant 2 : i32
    %add3A_53 = arith.addi %mul3A_51, %add3A_52 : i32
    %div3A_54 = arith.constant 128 : i32
    %div3A_55 = arith.divsi %add3A_53, %div3A_54 : i32
    %rem3A_56 = arith.constant 128 : i32
    %rem3A_57 = arith.remsi %add3A_53, %rem3A_56 : i32
    %mul3A_58 = arith.constant 128 : i32
    %mul3A_59 = arith.muli %rem3A_57, %mul3A_58 : i32
    %rem3A_60 = arith.constant 2 : i32
    %rem3A_61 = arith.constant 8 : i32
    %rem3A_62 = arith.remsi %rem3A_60, %rem3A_61 : i32
    %dma_start3A_63 = arith.constant 0 : i32
    %dma_start3A_64 = tpu.memref_slice %arg5[%rem3A_62, %dma_start3A_63] : memref<8x128xi32, #tpu.memory_space<vmem>> -> memref<1x128xi32, #tpu.memory_space<vmem>>
    %dma_start3A_65 = tpu.memref_squeeze %dma_start3A_64 : memref<1x128xi32, #tpu.memory_space<vmem>> -> memref<128xi32, #tpu.memory_space<vmem>>
    %dma_start3A_66 = tpu.memref_slice %arg2[%div3A_55, %mul3A_59] : memref<50x16384xi32, #tpu.memory_space<hbm>> -> memref<1x128xi32, #tpu.memory_space<hbm>>
    %dma_start3A_67 = tpu.memref_squeeze %dma_start3A_66 : memref<1x128xi32, #tpu.memory_space<hbm>> -> memref<128xi32, #tpu.memory_space<hbm>>
    %dma_start3A_68 = tpu.memref_slice %arg7[%rem3A_62] : memref<8x!tpu.dma_semaphore, #tpu.memory_space<semaphore_mem>> -> memref<1x!tpu.dma_semaphore, #tpu.memory_space<semaphore_mem>>
    %dma_start3A_69 = tpu.memref_squeeze %dma_start3A_68 : memref<1x!tpu.dma_semaphore, #tpu.memory_space<semaphore_mem>> -> memref<!tpu.dma_semaphore, #tpu.memory_space<semaphore_mem>>
    %dma_start3A_70 = arith.constant 0 : i32
    %dma_start3A_71 = tpu.memref_slice %arg5[%rem3A_62, %dma_start3A_70] : memref<8x128xi32, #tpu.memory_space<vmem>> -> memref<1x128xi32, #tpu.memory_space<vmem>>
    %dma_start3A_72 = tpu.memref_squeeze %dma_start3A_71 : memref<1x128xi32, #tpu.memory_space<vmem>> -> memref<128xi32, #tpu.memory_space<vmem>>
    %dma_start3A_73 = tpu.memref_slice %arg2[%div3A_55, %mul3A_59] : memref<50x16384xi32, #tpu.memory_space<hbm>> -> memref<1x128xi32, #tpu.memory_space<hbm>>
    %dma_start3A_74 = tpu.memref_squeeze %dma_start3A_73 : memref<1x128xi32, #tpu.memory_space<hbm>> -> memref<128xi32, #tpu.memory_space<hbm>>
    tpu.enqueue_dma source(%dma_start3A_74 : memref<128xi32, #tpu.memory_space<hbm>>) target(%dma_start3A_72 : memref<128xi32, #tpu.memory_space<vmem>>) target_semaphore(%dma_start3A_69 : memref<!tpu.dma_semaphore, #tpu.memory_space<semaphore_mem>>)
    %mul3A_75 = arith.constant 200 : i32
    %mul3A_76 = arith.muli %add3A, %mul3A_75 : i32
    %add3A_77 = arith.constant 3 : i32
    %add3A_78 = arith.addi %mul3A_76, %add3A_77 : i32
    %div3A_79 = arith.constant 128 : i32
    %div3A_80 = arith.divsi %add3A_78, %div3A_79 : i32
    %rem3A_81 = arith.constant 128 : i32
    %rem3A_82 = arith.remsi %add3A_78, %rem3A_81 : i32
    %mul3A_83 = arith.constant 128 : i32
    %mul3A_84 = arith.muli %rem3A_82, %mul3A_83 : i32
    %rem3A_85 = arith.constant 3 : i32
    %rem3A_86 = arith.constant 8 : i32
    %rem3A_87 = arith.remsi %rem3A_85, %rem3A_86 : i32
    %dma_start3A_88 = arith.constant 0 : i32
    %dma_start3A_89 = tpu.memref_slice %arg5[%rem3A_87, %dma_start3A_88] : memref<8x128xi32, #tpu.memory_space<vmem>> -> memref<1x128xi32, #tpu.memory_space<vmem>>
    %dma_start3A_90 = tpu.memref_squeeze %dma_start3A_89 : memref<1x128xi32, #tpu.memory_space<vmem>> -> memref<128xi32, #tpu.memory_space<vmem>>
    %dma_start3A_91 = tpu.memref_slice %arg2[%div3A_80, %mul3A_84] : memref<50x16384xi32, #tpu.memory_space<hbm>> -> memref<1x128xi32, #tpu.memory_space<hbm>>
    %dma_start3A_92 = tpu.memref_squeeze %dma_start3A_91 : memref<1x128xi32, #tpu.memory_space<hbm>> -> memref<128xi32, #tpu.memory_space<hbm>>
    %dma_start3A_93 = tpu.memref_slice %arg7[%rem3A_87] : memref<8x!tpu.dma_semaphore, #tpu.memory_space<semaphore_mem>> -> memref<1x!tpu.dma_semaphore, #tpu.memory_space<semaphore_mem>>
    %dma_start3A_94 = tpu.memref_squeeze %dma_start3A_93 : memref<1x!tpu.dma_semaphore, #tpu.memory_space<semaphore_mem>> -> memref<!tpu.dma_semaphore, #tpu.memory_space<semaphore_mem>>
    %dma_start3A_95 = arith.constant 0 : i32
    %dma_start3A_96 = tpu.memref_slice %arg5[%rem3A_87, %dma_start3A_95] : memref<8x128xi32, #tpu.memory_space<vmem>> -> memref<1x128xi32, #tpu.memory_space<vmem>>
    %dma_start3A_97 = tpu.memref_squeeze %dma_start3A_96 : memref<1x128xi32, #tpu.memory_space<vmem>> -> memref<128xi32, #tpu.memory_space<vmem>>
    %dma_start3A_98 = tpu.memref_slice %arg2[%div3A_80, %mul3A_84] : memref<50x16384xi32, #tpu.memory_space<hbm>> -> memref<1x128xi32, #tpu.memory_space<hbm>>
    %dma_start3A_99 = tpu.memref_squeeze %dma_start3A_98 : memref<1x128xi32, #tpu.memory_space<hbm>> -> memref<128xi32, #tpu.memory_space<hbm>>
    tpu.enqueue_dma source(%dma_start3A_99 : memref<128xi32, #tpu.memory_space<hbm>>) target(%dma_start3A_97 : memref<128xi32, #tpu.memory_space<vmem>>) target_semaphore(%dma_start3A_94 : memref<!tpu.dma_semaphore, #tpu.memory_space<semaphore_mem>>)
    %mul3A_100 = arith.constant 200 : i32
    %mul3A_101 = arith.muli %add3A, %mul3A_100 : i32
    %add3A_102 = arith.constant 4 : i32
    %add3A_103 = arith.addi %mul3A_101, %add3A_102 : i32
    %div3A_104 = arith.constant 128 : i32
    %div3A_105 = arith.divsi %add3A_103, %div3A_104 : i32
    %rem3A_106 = arith.constant 128 : i32
    %rem3A_107 = arith.remsi %add3A_103, %rem3A_106 : i32
    %mul3A_108 = arith.constant 128 : i32
    %mul3A_109 = arith.muli %rem3A_107, %mul3A_108 : i32
    %rem3A_110 = arith.constant 4 : i32
    %rem3A_111 = arith.constant 8 : i32
    %rem3A_112 = arith.remsi %rem3A_110, %rem3A_111 : i32
    %dma_start3A_113 = arith.constant 0 : i32
    %dma_start3A_114 = tpu.memref_slice %arg5[%rem3A_112, %dma_start3A_113] : memref<8x128xi32, #tpu.memory_space<vmem>> -> memref<1x128xi32, #tpu.memory_space<vmem>>
    %dma_start3A_115 = tpu.memref_squeeze %dma_start3A_114 : memref<1x128xi32, #tpu.memory_space<vmem>> -> memref<128xi32, #tpu.memory_space<vmem>>
    %dma_start3A_116 = tpu.memref_slice %arg2[%div3A_105, %mul3A_109] : memref<50x16384xi32, #tpu.memory_space<hbm>> -> memref<1x128xi32, #tpu.memory_space<hbm>>
    %dma_start3A_117 = tpu.memref_squeeze %dma_start3A_116 : memref<1x128xi32, #tpu.memory_space<hbm>> -> memref<128xi32, #tpu.memory_space<hbm>>
    %dma_start3A_118 = tpu.memref_slice %arg7[%rem3A_112] : memref<8x!tpu.dma_semaphore, #tpu.memory_space<semaphore_mem>> -> memref<1x!tpu.dma_semaphore, #tpu.memory_space<semaphore_mem>>
    %dma_start3A_119 = tpu.memref_squeeze %dma_start3A_118 : memref<1x!tpu.dma_semaphore, #tpu.memory_space<semaphore_mem>> -> memref<!tpu.dma_semaphore, #tpu.memory_space<semaphore_mem>>
    %dma_start3A_120 = arith.constant 0 : i32
    %dma_start3A_121 = tpu.memref_slice %arg5[%rem3A_112, %dma_start3A_120] : memref<8x128xi32, #tpu.memory_space<vmem>> -> memref<1x128xi32, #tpu.memory_space<vmem>>
    %dma_start3A_122 = tpu.memref_squeeze %dma_start3A_121 : memref<1x128xi32, #tpu.memory_space<vmem>> -> memref<128xi32, #tpu.memory_space<vmem>>
    %dma_start3A_123 = tpu.memref_slice %arg2[%div3A_105, %mul3A_109] : memref<50x16384xi32, #tpu.memory_space<hbm>> -> memref<1x128xi32, #tpu.memory_space<hbm>>
    %dma_start3A_124 = tpu.memref_squeeze %dma_start3A_123 : memref<1x128xi32, #tpu.memory_space<hbm>> -> memref<128xi32, #tpu.memory_space<hbm>>
    tpu.enqueue_dma source(%dma_start3A_124 : memref<128xi32, #tpu.memory_space<hbm>>) target(%dma_start3A_122 : memref<128xi32, #tpu.memory_space<vmem>>) target_semaphore(%dma_start3A_119 : memref<!tpu.dma_semaphore, #tpu.memory_space<semaphore_mem>>)
    %mul3A_125 = arith.constant 200 : i32
    %mul3A_126 = arith.muli %add3A, %mul3A_125 : i32
    %add3A_127 = arith.constant 5 : i32
    %add3A_128 = arith.addi %mul3A_126, %add3A_127 : i32
    %div3A_129 = arith.constant 128 : i32
    %div3A_130 = arith.divsi %add3A_128, %div3A_129 : i32
    %rem3A_131 = arith.constant 128 : i32
    %rem3A_132 = arith.remsi %add3A_128, %rem3A_131 : i32
    %mul3A_133 = arith.constant 128 : i32
    %mul3A_134 = arith.muli %rem3A_132, %mul3A_133 : i32
    %rem3A_135 = arith.constant 5 : i32
    %rem3A_136 = arith.constant 8 : i32
    %rem3A_137 = arith.remsi %rem3A_135, %rem3A_136 : i32
    %dma_start3A_138 = arith.constant 0 : i32
    %dma_start3A_139 = tpu.memref_slice %arg5[%rem3A_137, %dma_start3A_138] : memref<8x128xi32, #tpu.memory_space<vmem>> -> memref<1x128xi32, #tpu.memory_space<vmem>>
    %dma_start3A_140 = tpu.memref_squeeze %dma_start3A_139 : memref<1x128xi32, #tpu.memory_space<vmem>> -> memref<128xi32, #tpu.memory_space<vmem>>
    %dma_start3A_141 = tpu.memref_slice %arg2[%div3A_130, %mul3A_134] : memref<50x16384xi32, #tpu.memory_space<hbm>> -> memref<1x128xi32, #tpu.memory_space<hbm>>
    %dma_start3A_142 = tpu.memref_squeeze %dma_start3A_141 : memref<1x128xi32, #tpu.memory_space<hbm>> -> memref<128xi32, #tpu.memory_space<hbm>>
    %dma_start3A_143 = tpu.memref_slice %arg7[%rem3A_137] : memref<8x!tpu.dma_semaphore, #tpu.memory_space<semaphore_mem>> -> memref<1x!tpu.dma_semaphore, #tpu.memory_space<semaphore_mem>>
    %dma_start3A_144 = tpu.memref_squeeze %dma_start3A_143 : memref<1x!tpu.dma_semaphore, #tpu.memory_space<semaphore_mem>> -> memref<!tpu.dma_semaphore, #tpu.memory_space<semaphore_mem>>
    %dma_start3A_145 = arith.constant 0 : i32
    %dma_start3A_146 = tpu.memref_slice %arg5[%rem3A_137, %dma_start3A_145] : memref<8x128xi32, #tpu.memory_space<vmem>> -> memref<1x128xi32, #tpu.memory_space<vmem>>
    %dma_start3A_147 = tpu.memref_squeeze %dma_start3A_146 : memref<1x128xi32, #tpu.memory_space<vmem>> -> memref<128xi32, #tpu.memory_space<vmem>>
    %dma_start3A_148 = tpu.memref_slice %arg2[%div3A_130, %mul3A_134] : memref<50x16384xi32, #tpu.memory_space<hbm>> -> memref<1x128xi32, #tpu.memory_space<hbm>>
    %dma_start3A_149 = tpu.memref_squeeze %dma_start3A_148 : memref<1x128xi32, #tpu.memory_space<hbm>> -> memref<128xi32, #tpu.memory_space<hbm>>
    tpu.enqueue_dma source(%dma_start3A_149 : memref<128xi32, #tpu.memory_space<hbm>>) target(%dma_start3A_147 : memref<128xi32, #tpu.memory_space<vmem>>) target_semaphore(%dma_start3A_144 : memref<!tpu.dma_semaphore, #tpu.memory_space<semaphore_mem>>)
    %rem3A_150 = arith.constant 0 : i32
    %rem3A_151 = arith.constant 8 : i32
    %rem3A_152 = arith.remsi %rem3A_150, %rem3A_151 : i32
    %dma_wait3A = arith.constant 0 : i32
    %dma_wait3A_153 = arith.constant 0 : i32
    %dma_wait3A_154 = tpu.memref_slice %arg5[%rem3A_152, %dma_wait3A_153] : memref<8x128xi32, #tpu.memory_space<vmem>> -> memref<1x128xi32, #tpu.memory_space<vmem>>
    %dma_wait3A_155 = tpu.memref_squeeze %dma_wait3A_154 : memref<1x128xi32, #tpu.memory_space<vmem>> -> memref<128xi32, #tpu.memory_space<vmem>>
    %dma_wait3A_156 = arith.constant 0 : i32
    %dma_wait3A_157 = tpu.memref_slice %arg2[%dma_wait3A, %dma_wait3A_156] : memref<50x16384xi32, #tpu.memory_space<hbm>> -> memref<1x128xi32, #tpu.memory_space<hbm>>
    %dma_wait3A_158 = tpu.memref_squeeze %dma_wait3A_157 : memref<1x128xi32, #tpu.memory_space<hbm>> -> memref<128xi32, #tpu.memory_space<hbm>>
    %dma_wait3A_159 = tpu.memref_slice %arg7[%rem3A_152] : memref<8x!tpu.dma_semaphore, #tpu.memory_space<semaphore_mem>> -> memref<1x!tpu.dma_semaphore, #tpu.memory_space<semaphore_mem>>
    %dma_wait3A_160 = tpu.memref_squeeze %dma_wait3A_159 : memref<1x!tpu.dma_semaphore, #tpu.memory_space<semaphore_mem>> -> memref<!tpu.dma_semaphore, #tpu.memory_space<semaphore_mem>>
    %dma_wait3A_161 = arith.constant 0 : i32
    %dma_wait3A_162 = tpu.memref_slice %arg5[%rem3A_152, %dma_wait3A_161] : memref<8x128xi32, #tpu.memory_space<vmem>> -> memref<1x128xi32, #tpu.memory_space<vmem>>
    %dma_wait3A_163 = tpu.memref_squeeze %dma_wait3A_162 : memref<1x128xi32, #tpu.memory_space<vmem>> -> memref<128xi32, #tpu.memory_space<vmem>>
    %dma_wait3A_164 = arith.constant 0 : i32
    %dma_wait3A_165 = tpu.memref_slice %arg2[%dma_wait3A, %dma_wait3A_164] : memref<50x16384xi32, #tpu.memory_space<hbm>> -> memref<1x128xi32, #tpu.memory_space<hbm>>
    %dma_wait3A_166 = tpu.memref_squeeze %dma_wait3A_165 : memref<1x128xi32, #tpu.memory_space<hbm>> -> memref<128xi32, #tpu.memory_space<hbm>>
    tpu.wait_dma2 semaphore(%dma_wait3A_160 : memref<!tpu.dma_semaphore, #tpu.memory_space<semaphore_mem>>) src(%dma_wait3A_166 : memref<128xi32, #tpu.memory_space<hbm>>) dst(%dma_wait3A_163 : memref<128xi32, #tpu.memory_space<vmem>>)
    %dma_start3A_167 = arith.constant 0 : i32
    %dma_start3A_168 = arith.constant 0 : i32
    %dma_start3A_169 = arith.constant 0 : i32
    %dma_start3A_170 = arith.constant 0 : i32
    %dma_start3A_171 = tpu.memref_slice %arg6[%dma_start3A_167, %dma_start3A_169, %dma_start3A_170] : memref<7x128x128xf32, #tpu.memory_space<vmem>> -> memref<1x128x128xf32, #tpu.memory_space<vmem>>
    %dma_start3A_172 = tpu.memref_squeeze %dma_start3A_171 : memref<1x128x128xf32, #tpu.memory_space<vmem>> -> memref<128x128xf32, #tpu.memory_space<vmem>>
    %dma_start3A_173 = arith.constant 0 : i32
    %dma_start3A_174 = tpu.memref_slice %arg5[%rem3A_152, %dma_start3A_173] : memref<8x128xi32, #tpu.memory_space<vmem>> -> memref<1x128xi32, #tpu.memory_space<vmem>>
    %dma_start3A_175 = tpu.memref_squeeze %dma_start3A_174 : memref<1x128xi32, #tpu.memory_space<vmem>> -> memref<128xi32, #tpu.memory_space<vmem>>
    %dma_start3A_176 = arith.constant 0 : i32
    %dma_start3A_177 = arith.constant 0 : i32
    %dma_start3A_178 = tpu.memref_slice %arg3[%dma_start3A_176, %dma_start3A_177] : memref<100000x128xf32, #tpu.memory_space<hbm>> -> memref<100000x128xf32, #tpu.memory_space<hbm>>
    %dma_start3A_179 = tpu.memref_slice %arg8[%dma_start3A_168] : memref<7x!tpu.dma_semaphore, #tpu.memory_space<semaphore_mem>> -> memref<1x!tpu.dma_semaphore, #tpu.memory_space<semaphore_mem>>
    %dma_start3A_180 = tpu.memref_squeeze %dma_start3A_179 : memref<1x!tpu.dma_semaphore, #tpu.memory_space<semaphore_mem>> -> memref<!tpu.dma_semaphore, #tpu.memory_space<semaphore_mem>>
    tpu.enqueue_indirect_dma source(%dma_start3A_178 : memref<100000x128xf32, #tpu.memory_space<hbm>>) target(%dma_start3A_172 : memref<128x128xf32, #tpu.memory_space<vmem>>) offsets(%dma_start3A_175 : memref<128xi32, #tpu.memory_space<vmem>>) semaphore(%dma_start3A_180 : memref<!tpu.dma_semaphore, #tpu.memory_space<semaphore_mem>>)
    %rem3A_181 = arith.constant 1 : i32
    %rem3A_182 = arith.constant 8 : i32
    %rem3A_183 = arith.remsi %rem3A_181, %rem3A_182 : i32
    %dma_wait3A_184 = arith.constant 0 : i32
    %dma_wait3A_185 = arith.constant 0 : i32
    %dma_wait3A_186 = tpu.memref_slice %arg5[%rem3A_183, %dma_wait3A_185] : memref<8x128xi32, #tpu.memory_space<vmem>> -> memref<1x128xi32, #tpu.memory_space<vmem>>
    %dma_wait3A_187 = tpu.memref_squeeze %dma_wait3A_186 : memref<1x128xi32, #tpu.memory_space<vmem>> -> memref<128xi32, #tpu.memory_space<vmem>>
    %dma_wait3A_188 = arith.constant 0 : i32
    %dma_wait3A_189 = tpu.memref_slice %arg2[%dma_wait3A_184, %dma_wait3A_188] : memref<50x16384xi32, #tpu.memory_space<hbm>> -> memref<1x128xi32, #tpu.memory_space<hbm>>
    %dma_wait3A_190 = tpu.memref_squeeze %dma_wait3A_189 : memref<1x128xi32, #tpu.memory_space<hbm>> -> memref<128xi32, #tpu.memory_space<hbm>>
    %dma_wait3A_191 = tpu.memref_slice %arg7[%rem3A_183] : memref<8x!tpu.dma_semaphore, #tpu.memory_space<semaphore_mem>> -> memref<1x!tpu.dma_semaphore, #tpu.memory_space<semaphore_mem>>
    %dma_wait3A_192 = tpu.memref_squeeze %dma_wait3A_191 : memref<1x!tpu.dma_semaphore, #tpu.memory_space<semaphore_mem>> -> memref<!tpu.dma_semaphore, #tpu.memory_space<semaphore_mem>>
    %dma_wait3A_193 = arith.constant 0 : i32
    %dma_wait3A_194 = tpu.memref_slice %arg5[%rem3A_183, %dma_wait3A_193] : memref<8x128xi32, #tpu.memory_space<vmem>> -> memref<1x128xi32, #tpu.memory_space<vmem>>
    %dma_wait3A_195 = tpu.memref_squeeze %dma_wait3A_194 : memref<1x128xi32, #tpu.memory_space<vmem>> -> memref<128xi32, #tpu.memory_space<vmem>>
    %dma_wait3A_196 = arith.constant 0 : i32
    %dma_wait3A_197 = tpu.memref_slice %arg2[%dma_wait3A_184, %dma_wait3A_196] : memref<50x16384xi32, #tpu.memory_space<hbm>> -> memref<1x128xi32, #tpu.memory_space<hbm>>
    %dma_wait3A_198 = tpu.memref_squeeze %dma_wait3A_197 : memref<1x128xi32, #tpu.memory_space<hbm>> -> memref<128xi32, #tpu.memory_space<hbm>>
    tpu.wait_dma2 semaphore(%dma_wait3A_192 : memref<!tpu.dma_semaphore, #tpu.memory_space<semaphore_mem>>) src(%dma_wait3A_198 : memref<128xi32, #tpu.memory_space<hbm>>) dst(%dma_wait3A_195 : memref<128xi32, #tpu.memory_space<vmem>>)
    %dma_start3A_199 = arith.constant 1 : i32
    %dma_start3A_200 = arith.constant 1 : i32
    %dma_start3A_201 = arith.constant 0 : i32
    %dma_start3A_202 = arith.constant 0 : i32
    %dma_start3A_203 = tpu.memref_slice %arg6[%dma_start3A_199, %dma_start3A_201, %dma_start3A_202] : memref<7x128x128xf32, #tpu.memory_space<vmem>> -> memref<1x128x128xf32, #tpu.memory_space<vmem>>
    %dma_start3A_204 = tpu.memref_squeeze %dma_start3A_203 : memref<1x128x128xf32, #tpu.memory_space<vmem>> -> memref<128x128xf32, #tpu.memory_space<vmem>>
    %dma_start3A_205 = arith.constant 0 : i32
    %dma_start3A_206 = tpu.memref_slice %arg5[%rem3A_183, %dma_start3A_205] : memref<8x128xi32, #tpu.memory_space<vmem>> -> memref<1x128xi32, #tpu.memory_space<vmem>>
    %dma_start3A_207 = tpu.memref_squeeze %dma_start3A_206 : memref<1x128xi32, #tpu.memory_space<vmem>> -> memref<128xi32, #tpu.memory_space<vmem>>
    %dma_start3A_208 = arith.constant 0 : i32
    %dma_start3A_209 = arith.constant 0 : i32
    %dma_start3A_210 = tpu.memref_slice %arg3[%dma_start3A_208, %dma_start3A_209] : memref<100000x128xf32, #tpu.memory_space<hbm>> -> memref<100000x128xf32, #tpu.memory_space<hbm>>
    %dma_start3A_211 = tpu.memref_slice %arg8[%dma_start3A_200] : memref<7x!tpu.dma_semaphore, #tpu.memory_space<semaphore_mem>> -> memref<1x!tpu.dma_semaphore, #tpu.memory_space<semaphore_mem>>
    %dma_start3A_212 = tpu.memref_squeeze %dma_start3A_211 : memref<1x!tpu.dma_semaphore, #tpu.memory_space<semaphore_mem>> -> memref<!tpu.dma_semaphore, #tpu.memory_space<semaphore_mem>>
    tpu.enqueue_indirect_dma source(%dma_start3A_210 : memref<100000x128xf32, #tpu.memory_space<hbm>>) target(%dma_start3A_204 : memref<128x128xf32, #tpu.memory_space<vmem>>) offsets(%dma_start3A_207 : memref<128xi32, #tpu.memory_space<vmem>>) semaphore(%dma_start3A_212 : memref<!tpu.dma_semaphore, #tpu.memory_space<semaphore_mem>>)
    %rem3A_213 = arith.constant 2 : i32
    %rem3A_214 = arith.constant 8 : i32
    %rem3A_215 = arith.remsi %rem3A_213, %rem3A_214 : i32
    %dma_wait3A_216 = arith.constant 0 : i32
    %dma_wait3A_217 = arith.constant 0 : i32
    %dma_wait3A_218 = tpu.memref_slice %arg5[%rem3A_215, %dma_wait3A_217] : memref<8x128xi32, #tpu.memory_space<vmem>> -> memref<1x128xi32, #tpu.memory_space<vmem>>
    %dma_wait3A_219 = tpu.memref_squeeze %dma_wait3A_218 : memref<1x128xi32, #tpu.memory_space<vmem>> -> memref<128xi32, #tpu.memory_space<vmem>>
    %dma_wait3A_220 = arith.constant 0 : i32
    %dma_wait3A_221 = tpu.memref_slice %arg2[%dma_wait3A_216, %dma_wait3A_220] : memref<50x16384xi32, #tpu.memory_space<hbm>> -> memref<1x128xi32, #tpu.memory_space<hbm>>
    %dma_wait3A_222 = tpu.memref_squeeze %dma_wait3A_221 : memref<1x128xi32, #tpu.memory_space<hbm>> -> memref<128xi32, #tpu.memory_space<hbm>>
    %dma_wait3A_223 = tpu.memref_slice %arg7[%rem3A_215] : memref<8x!tpu.dma_semaphore, #tpu.memory_space<semaphore_mem>> -> memref<1x!tpu.dma_semaphore, #tpu.memory_space<semaphore_mem>>
    %dma_wait3A_224 = tpu.memref_squeeze %dma_wait3A_223 : memref<1x!tpu.dma_semaphore, #tpu.memory_space<semaphore_mem>> -> memref<!tpu.dma_semaphore, #tpu.memory_space<semaphore_mem>>
    %dma_wait3A_225 = arith.constant 0 : i32
    %dma_wait3A_226 = tpu.memref_slice %arg5[%rem3A_215, %dma_wait3A_225] : memref<8x128xi32, #tpu.memory_space<vmem>> -> memref<1x128xi32, #tpu.memory_space<vmem>>
    %dma_wait3A_227 = tpu.memref_squeeze %dma_wait3A_226 : memref<1x128xi32, #tpu.memory_space<vmem>> -> memref<128xi32, #tpu.memory_space<vmem>>
    %dma_wait3A_228 = arith.constant 0 : i32
    %dma_wait3A_229 = tpu.memref_slice %arg2[%dma_wait3A_216, %dma_wait3A_228] : memref<50x16384xi32, #tpu.memory_space<hbm>> -> memref<1x128xi32, #tpu.memory_space<hbm>>
    %dma_wait3A_230 = tpu.memref_squeeze %dma_wait3A_229 : memref<1x128xi32, #tpu.memory_space<hbm>> -> memref<128xi32, #tpu.memory_space<hbm>>
    tpu.wait_dma2 semaphore(%dma_wait3A_224 : memref<!tpu.dma_semaphore, #tpu.memory_space<semaphore_mem>>) src(%dma_wait3A_230 : memref<128xi32, #tpu.memory_space<hbm>>) dst(%dma_wait3A_227 : memref<128xi32, #tpu.memory_space<vmem>>)
    %dma_start3A_231 = arith.constant 2 : i32
    %dma_start3A_232 = arith.constant 2 : i32
    %dma_start3A_233 = arith.constant 0 : i32
    %dma_start3A_234 = arith.constant 0 : i32
    %dma_start3A_235 = tpu.memref_slice %arg6[%dma_start3A_231, %dma_start3A_233, %dma_start3A_234] : memref<7x128x128xf32, #tpu.memory_space<vmem>> -> memref<1x128x128xf32, #tpu.memory_space<vmem>>
    %dma_start3A_236 = tpu.memref_squeeze %dma_start3A_235 : memref<1x128x128xf32, #tpu.memory_space<vmem>> -> memref<128x128xf32, #tpu.memory_space<vmem>>
    %dma_start3A_237 = arith.constant 0 : i32
    %dma_start3A_238 = tpu.memref_slice %arg5[%rem3A_215, %dma_start3A_237] : memref<8x128xi32, #tpu.memory_space<vmem>> -> memref<1x128xi32, #tpu.memory_space<vmem>>
    %dma_start3A_239 = tpu.memref_squeeze %dma_start3A_238 : memref<1x128xi32, #tpu.memory_space<vmem>> -> memref<128xi32, #tpu.memory_space<vmem>>
    %dma_start3A_240 = arith.constant 0 : i32
    %dma_start3A_241 = arith.constant 0 : i32
    %dma_start3A_242 = tpu.memref_slice %arg3[%dma_start3A_240, %dma_start3A_241] : memref<100000x128xf32, #tpu.memory_space<hbm>> -> memref<100000x128xf32, #tpu.memory_space<hbm>>
    %dma_start3A_243 = tpu.memref_slice %arg8[%dma_start3A_232] : memref<7x!tpu.dma_semaphore, #tpu.memory_space<semaphore_mem>> -> memref<1x!tpu.dma_semaphore, #tpu.memory_space<semaphore_mem>>
    %dma_start3A_244 = tpu.memref_squeeze %dma_start3A_243 : memref<1x!tpu.dma_semaphore, #tpu.memory_space<semaphore_mem>> -> memref<!tpu.dma_semaphore, #tpu.memory_space<semaphore_mem>>
    tpu.enqueue_indirect_dma source(%dma_start3A_242 : memref<100000x128xf32, #tpu.memory_space<hbm>>) target(%dma_start3A_236 : memref<128x128xf32, #tpu.memory_space<vmem>>) offsets(%dma_start3A_239 : memref<128xi32, #tpu.memory_space<vmem>>) semaphore(%dma_start3A_244 : memref<!tpu.dma_semaphore, #tpu.memory_space<semaphore_mem>>)
    %rem3A_245 = arith.constant 3 : i32
    %rem3A_246 = arith.constant 8 : i32
    %rem3A_247 = arith.remsi %rem3A_245, %rem3A_246 : i32
    %dma_wait3A_248 = arith.constant 0 : i32
    %dma_wait3A_249 = arith.constant 0 : i32
    %dma_wait3A_250 = tpu.memref_slice %arg5[%rem3A_247, %dma_wait3A_249] : memref<8x128xi32, #tpu.memory_space<vmem>> -> memref<1x128xi32, #tpu.memory_space<vmem>>
    %dma_wait3A_251 = tpu.memref_squeeze %dma_wait3A_250 : memref<1x128xi32, #tpu.memory_space<vmem>> -> memref<128xi32, #tpu.memory_space<vmem>>
    %dma_wait3A_252 = arith.constant 0 : i32
    %dma_wait3A_253 = tpu.memref_slice %arg2[%dma_wait3A_248, %dma_wait3A_252] : memref<50x16384xi32, #tpu.memory_space<hbm>> -> memref<1x128xi32, #tpu.memory_space<hbm>>
    %dma_wait3A_254 = tpu.memref_squeeze %dma_wait3A_253 : memref<1x128xi32, #tpu.memory_space<hbm>> -> memref<128xi32, #tpu.memory_space<hbm>>
    %dma_wait3A_255 = tpu.memref_slice %arg7[%rem3A_247] : memref<8x!tpu.dma_semaphore, #tpu.memory_space<semaphore_mem>> -> memref<1x!tpu.dma_semaphore, #tpu.memory_space<semaphore_mem>>
    %dma_wait3A_256 = tpu.memref_squeeze %dma_wait3A_255 : memref<1x!tpu.dma_semaphore, #tpu.memory_space<semaphore_mem>> -> memref<!tpu.dma_semaphore, #tpu.memory_space<semaphore_mem>>
    %dma_wait3A_257 = arith.constant 0 : i32
    %dma_wait3A_258 = tpu.memref_slice %arg5[%rem3A_247, %dma_wait3A_257] : memref<8x128xi32, #tpu.memory_space<vmem>> -> memref<1x128xi32, #tpu.memory_space<vmem>>
    %dma_wait3A_259 = tpu.memref_squeeze %dma_wait3A_258 : memref<1x128xi32, #tpu.memory_space<vmem>> -> memref<128xi32, #tpu.memory_space<vmem>>
    %dma_wait3A_260 = arith.constant 0 : i32
    %dma_wait3A_261 = tpu.memref_slice %arg2[%dma_wait3A_248, %dma_wait3A_260] : memref<50x16384xi32, #tpu.memory_space<hbm>> -> memref<1x128xi32, #tpu.memory_space<hbm>>
    %dma_wait3A_262 = tpu.memref_squeeze %dma_wait3A_261 : memref<1x128xi32, #tpu.memory_space<hbm>> -> memref<128xi32, #tpu.memory_space<hbm>>
    tpu.wait_dma2 semaphore(%dma_wait3A_256 : memref<!tpu.dma_semaphore, #tpu.memory_space<semaphore_mem>>) src(%dma_wait3A_262 : memref<128xi32, #tpu.memory_space<hbm>>) dst(%dma_wait3A_259 : memref<128xi32, #tpu.memory_space<vmem>>)
    %dma_start3A_263 = arith.constant 3 : i32
    %dma_start3A_264 = arith.constant 3 : i32
    %dma_start3A_265 = arith.constant 0 : i32
    %dma_start3A_266 = arith.constant 0 : i32
    %dma_start3A_267 = tpu.memref_slice %arg6[%dma_start3A_263, %dma_start3A_265, %dma_start3A_266] : memref<7x128x128xf32, #tpu.memory_space<vmem>> -> memref<1x128x128xf32, #tpu.memory_space<vmem>>
    %dma_start3A_268 = tpu.memref_squeeze %dma_start3A_267 : memref<1x128x128xf32, #tpu.memory_space<vmem>> -> memref<128x128xf32, #tpu.memory_space<vmem>>
    %dma_start3A_269 = arith.constant 0 : i32
    %dma_start3A_270 = tpu.memref_slice %arg5[%rem3A_247, %dma_start3A_269] : memref<8x128xi32, #tpu.memory_space<vmem>> -> memref<1x128xi32, #tpu.memory_space<vmem>>
    %dma_start3A_271 = tpu.memref_squeeze %dma_start3A_270 : memref<1x128xi32, #tpu.memory_space<vmem>> -> memref<128xi32, #tpu.memory_space<vmem>>
    %dma_start3A_272 = arith.constant 0 : i32
    %dma_start3A_273 = arith.constant 0 : i32
    %dma_start3A_274 = tpu.memref_slice %arg3[%dma_start3A_272, %dma_start3A_273] : memref<100000x128xf32, #tpu.memory_space<hbm>> -> memref<100000x128xf32, #tpu.memory_space<hbm>>
    %dma_start3A_275 = tpu.memref_slice %arg8[%dma_start3A_264] : memref<7x!tpu.dma_semaphore, #tpu.memory_space<semaphore_mem>> -> memref<1x!tpu.dma_semaphore, #tpu.memory_space<semaphore_mem>>
    %dma_start3A_276 = tpu.memref_squeeze %dma_start3A_275 : memref<1x!tpu.dma_semaphore, #tpu.memory_space<semaphore_mem>> -> memref<!tpu.dma_semaphore, #tpu.memory_space<semaphore_mem>>
    tpu.enqueue_indirect_dma source(%dma_start3A_274 : memref<100000x128xf32, #tpu.memory_space<hbm>>) target(%dma_start3A_268 : memref<128x128xf32, #tpu.memory_space<vmem>>) offsets(%dma_start3A_271 : memref<128xi32, #tpu.memory_space<vmem>>) semaphore(%dma_start3A_276 : memref<!tpu.dma_semaphore, #tpu.memory_space<semaphore_mem>>)
    %scan3A = arith.constant 0 : i32
    %scan3A_277 = arith.constant 0 : i32
    %scan3A_278 = arith.constant 200 : i32
    %scan3A_279 = arith.addi %scan3A_277, %scan3A_278 : i32
    %scan3A_280 = arith.constant 1 : i32
    scf.for %scan3A_422 = %scan3A_277 to %scan3A_279 step %scan3A_280  : i32 {
      %rem3A_423 = arith.constant 7 : i32
      %rem3A_424 = arith.remsi %scan3A_422, %rem3A_423 : i32
      %dma_wait3A_425 = arith.constant 0 : i32
      %dma_wait3A_426 = arith.constant 0 : i32
      %dma_wait3A_427 = arith.constant 0 : i32
      %dma_wait3A_428 = tpu.memref_slice %arg6[%rem3A_424, %dma_wait3A_426, %dma_wait3A_427] : memref<7x128x128xf32, #tpu.memory_space<vmem>> -> memref<1x128x128xf32, #tpu.memory_space<vmem>>
      %dma_wait3A_429 = tpu.memref_squeeze %dma_wait3A_428 : memref<1x128x128xf32, #tpu.memory_space<vmem>> -> memref<128x128xf32, #tpu.memory_space<vmem>>
      %dma_wait3A_430 = arith.constant 0 : i32
      %dma_wait3A_431 = tpu.memref_slice %arg5[%dma_wait3A_425, %dma_wait3A_430] : memref<8x128xi32, #tpu.memory_space<vmem>> -> memref<1x128xi32, #tpu.memory_space<vmem>>
      %dma_wait3A_432 = tpu.memref_squeeze %dma_wait3A_431 : memref<1x128xi32, #tpu.memory_space<vmem>> -> memref<128xi32, #tpu.memory_space<vmem>>
      %dma_wait3A_433 = arith.constant 0 : i32
      %dma_wait3A_434 = arith.constant 0 : i32
      %dma_wait3A_435 = tpu.memref_slice %arg3[%dma_wait3A_433, %dma_wait3A_434] : memref<100000x128xf32, #tpu.memory_space<hbm>> -> memref<100000x128xf32, #tpu.memory_space<hbm>>
      %dma_wait3A_436 = tpu.memref_slice %arg8[%rem3A_424] : memref<7x!tpu.dma_semaphore, #tpu.memory_space<semaphore_mem>> -> memref<1x!tpu.dma_semaphore, #tpu.memory_space<semaphore_mem>>
      %dma_wait3A_437 = tpu.memref_squeeze %dma_wait3A_436 : memref<1x!tpu.dma_semaphore, #tpu.memory_space<semaphore_mem>> -> memref<!tpu.dma_semaphore, #tpu.memory_space<semaphore_mem>>
      tpu.wait_indirect_dma semaphore(%dma_wait3A_437 : memref<!tpu.dma_semaphore, #tpu.memory_space<semaphore_mem>>) src(%dma_wait3A_435 : memref<100000x128xf32, #tpu.memory_space<hbm>>) dst(%dma_wait3A_429 : memref<128x128xf32, #tpu.memory_space<vmem>>)
      %mul3A_438 = arith.constant 128 : i32
      %mul3A_439 = arith.muli %scan3A_422, %mul3A_438 : i32
      %add3A_440 = arith.addi %mul3A_2, %mul3A_439 : i32
      %dma_start3A_441 = arith.constant 0 : i32
      %dma_start3A_442 = arith.constant 0 : i32
      %dma_start3A_443 = tpu.memref_slice %arg6[%rem3A_424, %dma_start3A_441, %dma_start3A_442] : memref<7x128x128xf32, #tpu.memory_space<vmem>> -> memref<1x128x128xf32, #tpu.memory_space<vmem>>
      %dma_start3A_444 = tpu.memref_squeeze %dma_start3A_443 : memref<1x128x128xf32, #tpu.memory_space<vmem>> -> memref<128x128xf32, #tpu.memory_space<vmem>>
      %dma_start3A_445 = tpu.memref_reshape %arg4 : memref<50x16384x128xf32, #tpu.memory_space<hbm>> -> memref<819200x128xf32, #tpu.memory_space<hbm>>
      %dma_start3A_446 = arith.constant 0 : i32
      %dma_start3A_447 = tpu.memref_slice %dma_start3A_445[%add3A_440, %dma_start3A_446] : memref<819200x128xf32, #tpu.memory_space<hbm>> -> memref<128x128xf32, #tpu.memory_space<hbm>>
      %dma_start3A_448 = tpu.memref_slice %arg9[%rem3A_424] : memref<7x!tpu.dma_semaphore, #tpu.memory_space<semaphore_mem>> -> memref<1x!tpu.dma_semaphore, #tpu.memory_space<semaphore_mem>>
      %dma_start3A_449 = tpu.memref_squeeze %dma_start3A_448 : memref<1x!tpu.dma_semaphore, #tpu.memory_space<semaphore_mem>> -> memref<!tpu.dma_semaphore, #tpu.memory_space<semaphore_mem>>
      %dma_start3A_450 = tpu.memref_reshape %arg4 : memref<50x16384x128xf32, #tpu.memory_space<hbm>> -> memref<819200x128xf32, #tpu.memory_space<hbm>>
      %dma_start3A_451 = arith.constant 0 : i32
      %dma_start3A_452 = tpu.memref_slice %dma_start3A_450[%add3A_440, %dma_start3A_451] : memref<819200x128xf32, #tpu.memory_space<hbm>> -> memref<128x128xf32, #tpu.memory_space<hbm>>
      %dma_start3A_453 = arith.constant 0 : i32
      %dma_start3A_454 = arith.constant 0 : i32
      %dma_start3A_455 = tpu.memref_slice %arg6[%rem3A_424, %dma_start3A_453, %dma_start3A_454] : memref<7x128x128xf32, #tpu.memory_space<vmem>> -> memref<1x128x128xf32, #tpu.memory_space<vmem>>
      %dma_start3A_456 = tpu.memref_squeeze %dma_start3A_455 : memref<1x128x128xf32, #tpu.memory_space<vmem>> -> memref<128x128xf32, #tpu.memory_space<vmem>>
      tpu.enqueue_dma source(%dma_start3A_456 : memref<128x128xf32, #tpu.memory_space<vmem>>) target(%dma_start3A_452 : memref<128x128xf32, #tpu.memory_space<hbm>>) target_semaphore(%dma_start3A_449 : memref<!tpu.dma_semaphore, #tpu.memory_space<semaphore_mem>>)
      %add3A_457 = arith.constant 4 : i32
      %add3A_458 = arith.addi %scan3A_422, %add3A_457 : i32
      %lt3A = arith.constant 200 : i32
      %lt3A_459 = arith.cmpi slt, %add3A_458, %lt3A : i32
      %convert_element_type3A = arith.extui %lt3A_459 : i1 to i32
      %cond3A = arith.constant 0 : i32
      %cond3A_460 = arith.cmpi ne, %convert_element_type3A, %cond3A : i32
      scf.if %cond3A_460 {
        %rem3A_468 = arith.constant 7 : i32
        %rem3A_469 = arith.remsi %add3A_458, %rem3A_468 : i32
        %ge3A = arith.constant 7 : i32
        %ge3A_470 = arith.cmpi sge, %add3A_458, %ge3A : i32
        %convert_element_type3A_471 = arith.extui %ge3A_470 : i1 to i32
        %cond3A_472 = arith.constant 0 : i32
        %cond3A_473 = arith.cmpi ne, %convert_element_type3A_471, %cond3A_472 : i32
        scf.if %cond3A_473 {
          %sub3A = arith.constant 7 : i32
          %sub3A_503 = arith.subi %add3A_458, %sub3A : i32
          %mul3A_504 = arith.constant 128 : i32
          %mul3A_505 = arith.muli %sub3A_503, %mul3A_504 : i32
          %add3A_506 = arith.addi %mul3A_2, %mul3A_505 : i32
          %dma_wait3A_507 = arith.constant 0 : i32
          %dma_wait3A_508 = arith.constant 0 : i32
          %dma_wait3A_509 = tpu.memref_slice %arg6[%rem3A_469, %dma_wait3A_507, %dma_wait3A_508] : memref<7x128x128xf32, #tpu.memory_space<vmem>> -> memref<1x128x128xf32, #tpu.memory_space<vmem>>
          %dma_wait3A_510 = tpu.memref_squeeze %dma_wait3A_509 : memref<1x128x128xf32, #tpu.memory_space<vmem>> -> memref<128x128xf32, #tpu.memory_space<vmem>>
          %dma_wait3A_511 = tpu.memref_reshape %arg4 : memref<50x16384x128xf32, #tpu.memory_space<hbm>> -> memref<819200x128xf32, #tpu.memory_space<hbm>>
          %dma_wait3A_512 = arith.constant 0 : i32
          %dma_wait3A_513 = tpu.memref_slice %dma_wait3A_511[%add3A_506, %dma_wait3A_512] : memref<819200x128xf32, #tpu.memory_space<hbm>> -> memref<128x128xf32, #tpu.memory_space<hbm>>
          %dma_wait3A_514 = tpu.memref_slice %arg9[%rem3A_469] : memref<7x!tpu.dma_semaphore, #tpu.memory_space<semaphore_mem>> -> memref<1x!tpu.dma_semaphore, #tpu.memory_space<semaphore_mem>>
          %dma_wait3A_515 = tpu.memref_squeeze %dma_wait3A_514 : memref<1x!tpu.dma_semaphore, #tpu.memory_space<semaphore_mem>> -> memref<!tpu.dma_semaphore, #tpu.memory_space<semaphore_mem>>
          %dma_wait3A_516 = tpu.memref_reshape %arg4 : memref<50x16384x128xf32, #tpu.memory_space<hbm>> -> memref<819200x128xf32, #tpu.memory_space<hbm>>
          %dma_wait3A_517 = arith.constant 0 : i32
          %dma_wait3A_518 = tpu.memref_slice %dma_wait3A_516[%add3A_506, %dma_wait3A_517] : memref<819200x128xf32, #tpu.memory_space<hbm>> -> memref<128x128xf32, #tpu.memory_space<hbm>>
          %dma_wait3A_519 = arith.constant 0 : i32
          %dma_wait3A_520 = arith.constant 0 : i32
          %dma_wait3A_521 = tpu.memref_slice %arg6[%rem3A_469, %dma_wait3A_519, %dma_wait3A_520] : memref<7x128x128xf32, #tpu.memory_space<vmem>> -> memref<1x128x128xf32, #tpu.memory_space<vmem>>
          %dma_wait3A_522 = tpu.memref_squeeze %dma_wait3A_521 : memref<1x128x128xf32, #tpu.memory_space<vmem>> -> memref<128x128xf32, #tpu.memory_space<vmem>>
          tpu.wait_dma2 semaphore(%dma_wait3A_515 : memref<!tpu.dma_semaphore, #tpu.memory_space<semaphore_mem>>) src(%dma_wait3A_522 : memref<128x128xf32, #tpu.memory_space<vmem>>) dst(%dma_wait3A_518 : memref<128x128xf32, #tpu.memory_space<hbm>>)
        } else {
        }
        %rem3A_474 = arith.constant 8 : i32
        %rem3A_475 = arith.remsi %add3A_458, %rem3A_474 : i32
        %dma_wait3A_476 = arith.constant 0 : i32
        %dma_wait3A_477 = arith.constant 0 : i32
        %dma_wait3A_478 = tpu.memref_slice %arg5[%rem3A_475, %dma_wait3A_477] : memref<8x128xi32, #tpu.memory_space<vmem>> -> memref<1x128xi32, #tpu.memory_space<vmem>>
        %dma_wait3A_479 = tpu.memref_squeeze %dma_wait3A_478 : memref<1x128xi32, #tpu.memory_space<vmem>> -> memref<128xi32, #tpu.memory_space<vmem>>
        %dma_wait3A_480 = arith.constant 0 : i32
        %dma_wait3A_481 = tpu.memref_slice %arg2[%dma_wait3A_476, %dma_wait3A_480] : memref<50x16384xi32, #tpu.memory_space<hbm>> -> memref<1x128xi32, #tpu.memory_space<hbm>>
        %dma_wait3A_482 = tpu.memref_squeeze %dma_wait3A_481 : memref<1x128xi32, #tpu.memory_space<hbm>> -> memref<128xi32, #tpu.memory_space<hbm>>
        %dma_wait3A_483 = tpu.memref_slice %arg7[%rem3A_475] : memref<8x!tpu.dma_semaphore, #tpu.memory_space<semaphore_mem>> -> memref<1x!tpu.dma_semaphore, #tpu.memory_space<semaphore_mem>>
        %dma_wait3A_484 = tpu.memref_squeeze %dma_wait3A_483 : memref<1x!tpu.dma_semaphore, #tpu.memory_space<semaphore_mem>> -> memref<!tpu.dma_semaphore, #tpu.memory_space<semaphore_mem>>
        %dma_wait3A_485 = arith.constant 0 : i32
        %dma_wait3A_486 = tpu.memref_slice %arg5[%rem3A_475, %dma_wait3A_485] : memref<8x128xi32, #tpu.memory_space<vmem>> -> memref<1x128xi32, #tpu.memory_space<vmem>>
        %dma_wait3A_487 = tpu.memref_squeeze %dma_wait3A_486 : memref<1x128xi32, #tpu.memory_space<vmem>> -> memref<128xi32, #tpu.memory_space<vmem>>
        %dma_wait3A_488 = arith.constant 0 : i32
        %dma_wait3A_489 = tpu.memref_slice %arg2[%dma_wait3A_476, %dma_wait3A_488] : memref<50x16384xi32, #tpu.memory_space<hbm>> -> memref<1x128xi32, #tpu.memory_space<hbm>>
        %dma_wait3A_490 = tpu.memref_squeeze %dma_wait3A_489 : memref<1x128xi32, #tpu.memory_space<hbm>> -> memref<128xi32, #tpu.memory_space<hbm>>
        tpu.wait_dma2 semaphore(%dma_wait3A_484 : memref<!tpu.dma_semaphore, #tpu.memory_space<semaphore_mem>>) src(%dma_wait3A_490 : memref<128xi32, #tpu.memory_space<hbm>>) dst(%dma_wait3A_487 : memref<128xi32, #tpu.memory_space<vmem>>)
        %dma_start3A_491 = arith.constant 0 : i32
        %dma_start3A_492 = arith.constant 0 : i32
        %dma_start3A_493 = tpu.memref_slice %arg6[%rem3A_469, %dma_start3A_491, %dma_start3A_492] : memref<7x128x128xf32, #tpu.memory_space<vmem>> -> memref<1x128x128xf32, #tpu.memory_space<vmem>>
        %dma_start3A_494 = tpu.memref_squeeze %dma_start3A_493 : memref<1x128x128xf32, #tpu.memory_space<vmem>> -> memref<128x128xf32, #tpu.memory_space<vmem>>
        %dma_start3A_495 = arith.constant 0 : i32
        %dma_start3A_496 = tpu.memref_slice %arg5[%rem3A_475, %dma_start3A_495] : memref<8x128xi32, #tpu.memory_space<vmem>> -> memref<1x128xi32, #tpu.memory_space<vmem>>
        %dma_start3A_497 = tpu.memref_squeeze %dma_start3A_496 : memref<1x128xi32, #tpu.memory_space<vmem>> -> memref<128xi32, #tpu.memory_space<vmem>>
        %dma_start3A_498 = arith.constant 0 : i32
        %dma_start3A_499 = arith.constant 0 : i32
        %dma_start3A_500 = tpu.memref_slice %arg3[%dma_start3A_498, %dma_start3A_499] : memref<100000x128xf32, #tpu.memory_space<hbm>> -> memref<100000x128xf32, #tpu.memory_space<hbm>>
        %dma_start3A_501 = tpu.memref_slice %arg8[%rem3A_469] : memref<7x!tpu.dma_semaphore, #tpu.memory_space<semaphore_mem>> -> memref<1x!tpu.dma_semaphore, #tpu.memory_space<semaphore_mem>>
        %dma_start3A_502 = tpu.memref_squeeze %dma_start3A_501 : memref<1x!tpu.dma_semaphore, #tpu.memory_space<semaphore_mem>> -> memref<!tpu.dma_semaphore, #tpu.memory_space<semaphore_mem>>
        tpu.enqueue_indirect_dma source(%dma_start3A_500 : memref<100000x128xf32, #tpu.memory_space<hbm>>) target(%dma_start3A_494 : memref<128x128xf32, #tpu.memory_space<vmem>>) offsets(%dma_start3A_497 : memref<128xi32, #tpu.memory_space<vmem>>) semaphore(%dma_start3A_502 : memref<!tpu.dma_semaphore, #tpu.memory_space<semaphore_mem>>)
      } else {
      }
      %add3A_461 = arith.constant 6 : i32
      %add3A_462 = arith.addi %scan3A_422, %add3A_461 : i32
      %lt3A_463 = arith.constant 200 : i32
      %lt3A_464 = arith.cmpi slt, %add3A_462, %lt3A_463 : i32
      %convert_element_type3A_465 = arith.extui %lt3A_464 : i1 to i32
      %cond3A_466 = arith.constant 0 : i32
      %cond3A_467 = arith.cmpi ne, %convert_element_type3A_465, %cond3A_466 : i32
      scf.if %cond3A_467 {
        %mul3A_468 = arith.constant 200 : i32
        %mul3A_469 = arith.muli %add3A, %mul3A_468 : i32
        %add3A_470 = arith.addi %mul3A_469, %add3A_462 : i32
        %div3A_471 = arith.constant 128 : i32
        %div3A_472 = arith.divsi %add3A_470, %div3A_471 : i32
        %rem3A_473 = arith.constant 128 : i32
        %rem3A_474 = arith.remsi %add3A_470, %rem3A_473 : i32
        %mul3A_475 = arith.constant 128 : i32
        %mul3A_476 = arith.muli %rem3A_474, %mul3A_475 : i32
        %rem3A_477 = arith.constant 8 : i32
        %rem3A_478 = arith.remsi %add3A_462, %rem3A_477 : i32
        %dma_start3A_479 = arith.constant 0 : i32
        %dma_start3A_480 = tpu.memref_slice %arg5[%rem3A_478, %dma_start3A_479] : memref<8x128xi32, #tpu.memory_space<vmem>> -> memref<1x128xi32, #tpu.memory_space<vmem>>
        %dma_start3A_481 = tpu.memref_squeeze %dma_start3A_480 : memref<1x128xi32, #tpu.memory_space<vmem>> -> memref<128xi32, #tpu.memory_space<vmem>>
        %dma_start3A_482 = tpu.memref_slice %arg2[%div3A_472, %mul3A_476] : memref<50x16384xi32, #tpu.memory_space<hbm>> -> memref<1x128xi32, #tpu.memory_space<hbm>>
        %dma_start3A_483 = tpu.memref_squeeze %dma_start3A_482 : memref<1x128xi32, #tpu.memory_space<hbm>> -> memref<128xi32, #tpu.memory_space<hbm>>
        %dma_start3A_484 = tpu.memref_slice %arg7[%rem3A_478] : memref<8x!tpu.dma_semaphore, #tpu.memory_space<semaphore_mem>> -> memref<1x!tpu.dma_semaphore, #tpu.memory_space<semaphore_mem>>
        %dma_start3A_485 = tpu.memref_squeeze %dma_start3A_484 : memref<1x!tpu.dma_semaphore, #tpu.memory_space<semaphore_mem>> -> memref<!tpu.dma_semaphore, #tpu.memory_space<semaphore_mem>>
        %dma_start3A_486 = arith.constant 0 : i32
        %dma_start3A_487 = tpu.memref_slice %arg5[%rem3A_478, %dma_start3A_486] : memref<8x128xi32, #tpu.memory_space<vmem>> -> memref<1x128xi32, #tpu.memory_space<vmem>>
        %dma_start3A_488 = tpu.memref_squeeze %dma_start3A_487 : memref<1x128xi32, #tpu.memory_space<vmem>> -> memref<128xi32, #tpu.memory_space<vmem>>
        %dma_start3A_489 = tpu.memref_slice %arg2[%div3A_472, %mul3A_476] : memref<50x16384xi32, #tpu.memory_space<hbm>> -> memref<1x128xi32, #tpu.memory_space<hbm>>
        %dma_start3A_490 = tpu.memref_squeeze %dma_start3A_489 : memref<1x128xi32, #tpu.memory_space<hbm>> -> memref<128xi32, #tpu.memory_space<hbm>>
        tpu.enqueue_dma source(%dma_start3A_490 : memref<128xi32, #tpu.memory_space<hbm>>) target(%dma_start3A_488 : memref<128xi32, #tpu.memory_space<vmem>>) target_semaphore(%dma_start3A_485 : memref<!tpu.dma_semaphore, #tpu.memory_space<semaphore_mem>>)
      } else {
      }
    }
    %scan3A_281 = arith.constant 200 : i32
    %add3A_282 = arith.constant 24704 : i32
    %add3A_283 = arith.addi %mul3A_2, %add3A_282 : i32
    %dma_wait3A_284 = arith.constant 4 : i32
    %dma_wait3A_285 = arith.constant 4 : i32
    %dma_wait3A_286 = arith.constant 0 : i32
    %dma_wait3A_287 = arith.constant 0 : i32
    %dma_wait3A_288 = tpu.memref_slice %arg6[%dma_wait3A_284, %dma_wait3A_286, %dma_wait3A_287] : memref<7x128x128xf32, #tpu.memory_space<vmem>> -> memref<1x128x128xf32, #tpu.memory_space<vmem>>
    %dma_wait3A_289 = tpu.memref_squeeze %dma_wait3A_288 : memref<1x128x128xf32, #tpu.memory_space<vmem>> -> memref<128x128xf32, #tpu.memory_space<vmem>>
    %dma_wait3A_290 = tpu.memref_reshape %arg4 : memref<50x16384x128xf32, #tpu.memory_space<hbm>> -> memref<819200x128xf32, #tpu.memory_space<hbm>>
    %dma_wait3A_291 = arith.constant 0 : i32
    %dma_wait3A_292 = tpu.memref_slice %dma_wait3A_290[%add3A_283, %dma_wait3A_291] : memref<819200x128xf32, #tpu.memory_space<hbm>> -> memref<128x128xf32, #tpu.memory_space<hbm>>
    %dma_wait3A_293 = tpu.memref_slice %arg9[%dma_wait3A_285] : memref<7x!tpu.dma_semaphore, #tpu.memory_space<semaphore_mem>> -> memref<1x!tpu.dma_semaphore, #tpu.memory_space<semaphore_mem>>
    %dma_wait3A_294 = tpu.memref_squeeze %dma_wait3A_293 : memref<1x!tpu.dma_semaphore, #tpu.memory_space<semaphore_mem>> -> memref<!tpu.dma_semaphore, #tpu.memory_space<semaphore_mem>>
    %dma_wait3A_295 = tpu.memref_reshape %arg4 : memref<50x16384x128xf32, #tpu.memory_space<hbm>> -> memref<819200x128xf32, #tpu.memory_space<hbm>>
    %dma_wait3A_296 = arith.constant 0 : i32
    %dma_wait3A_297 = tpu.memref_slice %dma_wait3A_295[%add3A_283, %dma_wait3A_296] : memref<819200x128xf32, #tpu.memory_space<hbm>> -> memref<128x128xf32, #tpu.memory_space<hbm>>
    %dma_wait3A_298 = arith.constant 0 : i32
    %dma_wait3A_299 = arith.constant 0 : i32
    %dma_wait3A_300 = tpu.memref_slice %arg6[%dma_wait3A_284, %dma_wait3A_298, %dma_wait3A_299] : memref<7x128x128xf32, #tpu.memory_space<vmem>> -> memref<1x128x128xf32, #tpu.memory_space<vmem>>
    %dma_wait3A_301 = tpu.memref_squeeze %dma_wait3A_300 : memref<1x128x128xf32, #tpu.memory_space<vmem>> -> memref<128x128xf32, #tpu.memory_space<vmem>>
    tpu.wait_dma2 semaphore(%dma_wait3A_294 : memref<!tpu.dma_semaphore, #tpu.memory_space<semaphore_mem>>) src(%dma_wait3A_301 : memref<128x128xf32, #tpu.memory_space<vmem>>) dst(%dma_wait3A_297 : memref<128x128xf32, #tpu.memory_space<hbm>>)
    %add3A_302 = arith.constant 24832 : i32
    %add3A_303 = arith.addi %mul3A_2, %add3A_302 : i32
    %dma_wait3A_304 = arith.constant 5 : i32
    %dma_wait3A_305 = arith.constant 5 : i32
    %dma_wait3A_306 = arith.constant 0 : i32
    %dma_wait3A_307 = arith.constant 0 : i32
    %dma_wait3A_308 = tpu.memref_slice %arg6[%dma_wait3A_304, %dma_wait3A_306, %dma_wait3A_307] : memref<7x128x128xf32, #tpu.memory_space<vmem>> -> memref<1x128x128xf32, #tpu.memory_space<vmem>>
    %dma_wait3A_309 = tpu.memref_squeeze %dma_wait3A_308 : memref<1x128x128xf32, #tpu.memory_space<vmem>> -> memref<128x128xf32, #tpu.memory_space<vmem>>
    %dma_wait3A_310 = tpu.memref_reshape %arg4 : memref<50x16384x128xf32, #tpu.memory_space<hbm>> -> memref<819200x128xf32, #tpu.memory_space<hbm>>
    %dma_wait3A_311 = arith.constant 0 : i32
    %dma_wait3A_312 = tpu.memref_slice %dma_wait3A_310[%add3A_303, %dma_wait3A_311] : memref<819200x128xf32, #tpu.memory_space<hbm>> -> memref<128x128xf32, #tpu.memory_space<hbm>>
    %dma_wait3A_313 = tpu.memref_slice %arg9[%dma_wait3A_305] : memref<7x!tpu.dma_semaphore, #tpu.memory_space<semaphore_mem>> -> memref<1x!tpu.dma_semaphore, #tpu.memory_space<semaphore_mem>>
    %dma_wait3A_314 = tpu.memref_squeeze %dma_wait3A_313 : memref<1x!tpu.dma_semaphore, #tpu.memory_space<semaphore_mem>> -> memref<!tpu.dma_semaphore, #tpu.memory_space<semaphore_mem>>
    %dma_wait3A_315 = tpu.memref_reshape %arg4 : memref<50x16384x128xf32, #tpu.memory_space<hbm>> -> memref<819200x128xf32, #tpu.memory_space<hbm>>
    %dma_wait3A_316 = arith.constant 0 : i32
    %dma_wait3A_317 = tpu.memref_slice %dma_wait3A_315[%add3A_303, %dma_wait3A_316] : memref<819200x128xf32, #tpu.memory_space<hbm>> -> memref<128x128xf32, #tpu.memory_space<hbm>>
    %dma_wait3A_318 = arith.constant 0 : i32
    %dma_wait3A_319 = arith.constant 0 : i32
    %dma_wait3A_320 = tpu.memref_slice %arg6[%dma_wait3A_304, %dma_wait3A_318, %dma_wait3A_319] : memref<7x128x128xf32, #tpu.memory_space<vmem>> -> memref<1x128x128xf32, #tpu.memory_space<vmem>>
    %dma_wait3A_321 = tpu.memref_squeeze %dma_wait3A_320 : memref<1x128x128xf32, #tpu.memory_space<vmem>> -> memref<128x128xf32, #tpu.memory_space<vmem>>
    tpu.wait_dma2 semaphore(%dma_wait3A_314 : memref<!tpu.dma_semaphore, #tpu.memory_space<semaphore_mem>>) src(%dma_wait3A_321 : memref<128x128xf32, #tpu.memory_space<vmem>>) dst(%dma_wait3A_317 : memref<128x128xf32, #tpu.memory_space<hbm>>)
    %add3A_322 = arith.constant 24960 : i32
    %add3A_323 = arith.addi %mul3A_2, %add3A_322 : i32
    %dma_wait3A_324 = arith.constant 6 : i32
    %dma_wait3A_325 = arith.constant 6 : i32
    %dma_wait3A_326 = arith.constant 0 : i32
    %dma_wait3A_327 = arith.constant 0 : i32
    %dma_wait3A_328 = tpu.memref_slice %arg6[%dma_wait3A_324, %dma_wait3A_326, %dma_wait3A_327] : memref<7x128x128xf32, #tpu.memory_space<vmem>> -> memref<1x128x128xf32, #tpu.memory_space<vmem>>
    %dma_wait3A_329 = tpu.memref_squeeze %dma_wait3A_328 : memref<1x128x128xf32, #tpu.memory_space<vmem>> -> memref<128x128xf32, #tpu.memory_space<vmem>>
    %dma_wait3A_330 = tpu.memref_reshape %arg4 : memref<50x16384x128xf32, #tpu.memory_space<hbm>> -> memref<819200x128xf32, #tpu.memory_space<hbm>>
    %dma_wait3A_331 = arith.constant 0 : i32
    %dma_wait3A_332 = tpu.memref_slice %dma_wait3A_330[%add3A_323, %dma_wait3A_331] : memref<819200x128xf32, #tpu.memory_space<hbm>> -> memref<128x128xf32, #tpu.memory_space<hbm>>
    %dma_wait3A_333 = tpu.memref_slice %arg9[%dma_wait3A_325] : memref<7x!tpu.dma_semaphore, #tpu.memory_space<semaphore_mem>> -> memref<1x!tpu.dma_semaphore, #tpu.memory_space<semaphore_mem>>
    %dma_wait3A_334 = tpu.memref_squeeze %dma_wait3A_333 : memref<1x!tpu.dma_semaphore, #tpu.memory_space<semaphore_mem>> -> memref<!tpu.dma_semaphore, #tpu.memory_space<semaphore_mem>>
    %dma_wait3A_335 = tpu.memref_reshape %arg4 : memref<50x16384x128xf32, #tpu.memory_space<hbm>> -> memref<819200x128xf32, #tpu.memory_space<hbm>>
    %dma_wait3A_336 = arith.constant 0 : i32
    %dma_wait3A_337 = tpu.memref_slice %dma_wait3A_335[%add3A_323, %dma_wait3A_336] : memref<819200x128xf32, #tpu.memory_space<hbm>> -> memref<128x128xf32, #tpu.memory_space<hbm>>
    %dma_wait3A_338 = arith.constant 0 : i32
    %dma_wait3A_339 = arith.constant 0 : i32
    %dma_wait3A_340 = tpu.memref_slice %arg6[%dma_wait3A_324, %dma_wait3A_338, %dma_wait3A_339] : memref<7x128x128xf32, #tpu.memory_space<vmem>> -> memref<1x128x128xf32, #tpu.memory_space<vmem>>
    %dma_wait3A_341 = tpu.memref_squeeze %dma_wait3A_340 : memref<1x128x128xf32, #tpu.memory_space<vmem>> -> memref<128x128xf32, #tpu.memory_space<vmem>>
    tpu.wait_dma2 semaphore(%dma_wait3A_334 : memref<!tpu.dma_semaphore, #tpu.memory_space<semaphore_mem>>) src(%dma_wait3A_341 : memref<128x128xf32, #tpu.memory_space<vmem>>) dst(%dma_wait3A_337 : memref<128x128xf32, #tpu.memory_space<hbm>>)
    %add3A_342 = arith.constant 25088 : i32
    %add3A_343 = arith.addi %mul3A_2, %add3A_342 : i32
    %dma_wait3A_344 = arith.constant 0 : i32
    %dma_wait3A_345 = arith.constant 0 : i32
    %dma_wait3A_346 = arith.constant 0 : i32
    %dma_wait3A_347 = arith.constant 0 : i32
    %dma_wait3A_348 = tpu.memref_slice %arg6[%dma_wait3A_344, %dma_wait3A_346, %dma_wait3A_347] : memref<7x128x128xf32, #tpu.memory_space<vmem>> -> memref<1x128x128xf32, #tpu.memory_space<vmem>>
    %dma_wait3A_349 = tpu.memref_squeeze %dma_wait3A_348 : memref<1x128x128xf32, #tpu.memory_space<vmem>> -> memref<128x128xf32, #tpu.memory_space<vmem>>
    %dma_wait3A_350 = tpu.memref_reshape %arg4 : memref<50x16384x128xf32, #tpu.memory_space<hbm>> -> memref<819200x128xf32, #tpu.memory_space<hbm>>
    %dma_wait3A_351 = arith.constant 0 : i32
    %dma_wait3A_352 = tpu.memref_slice %dma_wait3A_350[%add3A_343, %dma_wait3A_351] : memref<819200x128xf32, #tpu.memory_space<hbm>> -> memref<128x128xf32, #tpu.memory_space<hbm>>
    %dma_wait3A_353 = tpu.memref_slice %arg9[%dma_wait3A_345] : memref<7x!tpu.dma_semaphore, #tpu.memory_space<semaphore_mem>> -> memref<1x!tpu.dma_semaphore, #tpu.memory_space<semaphore_mem>>
    %dma_wait3A_354 = tpu.memref_squeeze %dma_wait3A_353 : memref<1x!tpu.dma_semaphore, #tpu.memory_space<semaphore_mem>> -> memref<!tpu.dma_semaphore, #tpu.memory_space<semaphore_mem>>
    %dma_wait3A_355 = tpu.memref_reshape %arg4 : memref<50x16384x128xf32, #tpu.memory_space<hbm>> -> memref<819200x128xf32, #tpu.memory_space<hbm>>
    %dma_wait3A_356 = arith.constant 0 : i32
    %dma_wait3A_357 = tpu.memref_slice %dma_wait3A_355[%add3A_343, %dma_wait3A_356] : memref<819200x128xf32, #tpu.memory_space<hbm>> -> memref<128x128xf32, #tpu.memory_space<hbm>>
    %dma_wait3A_358 = arith.constant 0 : i32
    %dma_wait3A_359 = arith.constant 0 : i32
    %dma_wait3A_360 = tpu.memref_slice %arg6[%dma_wait3A_344, %dma_wait3A_358, %dma_wait3A_359] : memref<7x128x128xf32, #tpu.memory_space<vmem>> -> memref<1x128x128xf32, #tpu.memory_space<vmem>>
    %dma_wait3A_361 = tpu.memref_squeeze %dma_wait3A_360 : memref<1x128x128xf32, #tpu.memory_space<vmem>> -> memref<128x128xf32, #tpu.memory_space<vmem>>
    tpu.wait_dma2 semaphore(%dma_wait3A_354 : memref<!tpu.dma_semaphore, #tpu.memory_space<semaphore_mem>>) src(%dma_wait3A_361 : memref<128x128xf32, #tpu.memory_space<vmem>>) dst(%dma_wait3A_357 : memref<128x128xf32, #tpu.memory_space<hbm>>)
    %add3A_362 = arith.constant 25216 : i32
    %add3A_363 = arith.addi %mul3A_2, %add3A_362 : i32
    %dma_wait3A_364 = arith.constant 1 : i32
    %dma_wait3A_365 = arith.constant 1 : i32
    %dma_wait3A_366 = arith.constant 0 : i32
    %dma_wait3A_367 = arith.constant 0 : i32
    %dma_wait3A_368 = tpu.memref_slice %arg6[%dma_wait3A_364, %dma_wait3A_366, %dma_wait3A_367] : memref<7x128x128xf32, #tpu.memory_space<vmem>> -> memref<1x128x128xf32, #tpu.memory_space<vmem>>
    %dma_wait3A_369 = tpu.memref_squeeze %dma_wait3A_368 : memref<1x128x128xf32, #tpu.memory_space<vmem>> -> memref<128x128xf32, #tpu.memory_space<vmem>>
    %dma_wait3A_370 = tpu.memref_reshape %arg4 : memref<50x16384x128xf32, #tpu.memory_space<hbm>> -> memref<819200x128xf32, #tpu.memory_space<hbm>>
    %dma_wait3A_371 = arith.constant 0 : i32
    %dma_wait3A_372 = tpu.memref_slice %dma_wait3A_370[%add3A_363, %dma_wait3A_371] : memref<819200x128xf32, #tpu.memory_space<hbm>> -> memref<128x128xf32, #tpu.memory_space<hbm>>
    %dma_wait3A_373 = tpu.memref_slice %arg9[%dma_wait3A_365] : memref<7x!tpu.dma_semaphore, #tpu.memory_space<semaphore_mem>> -> memref<1x!tpu.dma_semaphore, #tpu.memory_space<semaphore_mem>>
    %dma_wait3A_374 = tpu.memref_squeeze %dma_wait3A_373 : memref<1x!tpu.dma_semaphore, #tpu.memory_space<semaphore_mem>> -> memref<!tpu.dma_semaphore, #tpu.memory_space<semaphore_mem>>
    %dma_wait3A_375 = tpu.memref_reshape %arg4 : memref<50x16384x128xf32, #tpu.memory_space<hbm>> -> memref<819200x128xf32, #tpu.memory_space<hbm>>
    %dma_wait3A_376 = arith.constant 0 : i32
    %dma_wait3A_377 = tpu.memref_slice %dma_wait3A_375[%add3A_363, %dma_wait3A_376] : memref<819200x128xf32, #tpu.memory_space<hbm>> -> memref<128x128xf32, #tpu.memory_space<hbm>>
    %dma_wait3A_378 = arith.constant 0 : i32
    %dma_wait3A_379 = arith.constant 0 : i32
    %dma_wait3A_380 = tpu.memref_slice %arg6[%dma_wait3A_364, %dma_wait3A_378, %dma_wait3A_379] : memref<7x128x128xf32, #tpu.memory_space<vmem>> -> memref<1x128x128xf32, #tpu.memory_space<vmem>>
    %dma_wait3A_381 = tpu.memref_squeeze %dma_wait3A_380 : memref<1x128x128xf32, #tpu.memory_space<vmem>> -> memref<128x128xf32, #tpu.memory_space<vmem>>
    tpu.wait_dma2 semaphore(%dma_wait3A_374 : memref<!tpu.dma_semaphore, #tpu.memory_space<semaphore_mem>>) src(%dma_wait3A_381 : memref<128x128xf32, #tpu.memory_space<vmem>>) dst(%dma_wait3A_377 : memref<128x128xf32, #tpu.memory_space<hbm>>)
    %add3A_382 = arith.constant 25344 : i32
    %add3A_383 = arith.addi %mul3A_2, %add3A_382 : i32
    %dma_wait3A_384 = arith.constant 2 : i32
    %dma_wait3A_385 = arith.constant 2 : i32
    %dma_wait3A_386 = arith.constant 0 : i32
    %dma_wait3A_387 = arith.constant 0 : i32
    %dma_wait3A_388 = tpu.memref_slice %arg6[%dma_wait3A_384, %dma_wait3A_386, %dma_wait3A_387] : memref<7x128x128xf32, #tpu.memory_space<vmem>> -> memref<1x128x128xf32, #tpu.memory_space<vmem>>
    %dma_wait3A_389 = tpu.memref_squeeze %dma_wait3A_388 : memref<1x128x128xf32, #tpu.memory_space<vmem>> -> memref<128x128xf32, #tpu.memory_space<vmem>>
    %dma_wait3A_390 = tpu.memref_reshape %arg4 : memref<50x16384x128xf32, #tpu.memory_space<hbm>> -> memref<819200x128xf32, #tpu.memory_space<hbm>>
    %dma_wait3A_391 = arith.constant 0 : i32
    %dma_wait3A_392 = tpu.memref_slice %dma_wait3A_390[%add3A_383, %dma_wait3A_391] : memref<819200x128xf32, #tpu.memory_space<hbm>> -> memref<128x128xf32, #tpu.memory_space<hbm>>
    %dma_wait3A_393 = tpu.memref_slice %arg9[%dma_wait3A_385] : memref<7x!tpu.dma_semaphore, #tpu.memory_space<semaphore_mem>> -> memref<1x!tpu.dma_semaphore, #tpu.memory_space<semaphore_mem>>
    %dma_wait3A_394 = tpu.memref_squeeze %dma_wait3A_393 : memref<1x!tpu.dma_semaphore, #tpu.memory_space<semaphore_mem>> -> memref<!tpu.dma_semaphore, #tpu.memory_space<semaphore_mem>>
    %dma_wait3A_395 = tpu.memref_reshape %arg4 : memref<50x16384x128xf32, #tpu.memory_space<hbm>> -> memref<819200x128xf32, #tpu.memory_space<hbm>>
    %dma_wait3A_396 = arith.constant 0 : i32
    %dma_wait3A_397 = tpu.memref_slice %dma_wait3A_395[%add3A_383, %dma_wait3A_396] : memref<819200x128xf32, #tpu.memory_space<hbm>> -> memref<128x128xf32, #tpu.memory_space<hbm>>
    %dma_wait3A_398 = arith.constant 0 : i32
    %dma_wait3A_399 = arith.constant 0 : i32
    %dma_wait3A_400 = tpu.memref_slice %arg6[%dma_wait3A_384, %dma_wait3A_398, %dma_wait3A_399] : memref<7x128x128xf32, #tpu.memory_space<vmem>> -> memref<1x128x128xf32, #tpu.memory_space<vmem>>
    %dma_wait3A_401 = tpu.memref_squeeze %dma_wait3A_400 : memref<1x128x128xf32, #tpu.memory_space<vmem>> -> memref<128x128xf32, #tpu.memory_space<vmem>>
    tpu.wait_dma2 semaphore(%dma_wait3A_394 : memref<!tpu.dma_semaphore, #tpu.memory_space<semaphore_mem>>) src(%dma_wait3A_401 : memref<128x128xf32, #tpu.memory_space<vmem>>) dst(%dma_wait3A_397 : memref<128x128xf32, #tpu.memory_space<hbm>>)
    %add3A_402 = arith.constant 25472 : i32
    %add3A_403 = arith.addi %mul3A_2, %add3A_402 : i32
    %dma_wait3A_404 = arith.constant 3 : i32
    %dma_wait3A_405 = arith.constant 3 : i32
    %dma_wait3A_406 = arith.constant 0 : i32
    %dma_wait3A_407 = arith.constant 0 : i32
    %dma_wait3A_408 = tpu.memref_slice %arg6[%dma_wait3A_404, %dma_wait3A_406, %dma_wait3A_407] : memref<7x128x128xf32, #tpu.memory_space<vmem>> -> memref<1x128x128xf32, #tpu.memory_space<vmem>>
    %dma_wait3A_409 = tpu.memref_squeeze %dma_wait3A_408 : memref<1x128x128xf32, #tpu.memory_space<vmem>> -> memref<128x128xf32, #tpu.memory_space<vmem>>
    %dma_wait3A_410 = tpu.memref_reshape %arg4 : memref<50x16384x128xf32, #tpu.memory_space<hbm>> -> memref<819200x128xf32, #tpu.memory_space<hbm>>
    %dma_wait3A_411 = arith.constant 0 : i32
    %dma_wait3A_412 = tpu.memref_slice %dma_wait3A_410[%add3A_403, %dma_wait3A_411] : memref<819200x128xf32, #tpu.memory_space<hbm>> -> memref<128x128xf32, #tpu.memory_space<hbm>>
    %dma_wait3A_413 = tpu.memref_slice %arg9[%dma_wait3A_405] : memref<7x!tpu.dma_semaphore, #tpu.memory_space<semaphore_mem>> -> memref<1x!tpu.dma_semaphore, #tpu.memory_space<semaphore_mem>>
    %dma_wait3A_414 = tpu.memref_squeeze %dma_wait3A_413 : memref<1x!tpu.dma_semaphore, #tpu.memory_space<semaphore_mem>> -> memref<!tpu.dma_semaphore, #tpu.memory_space<semaphore_mem>>
    %dma_wait3A_415 = tpu.memref_reshape %arg4 : memref<50x16384x128xf32, #tpu.memory_space<hbm>> -> memref<819200x128xf32, #tpu.memory_space<hbm>>
    %dma_wait3A_416 = arith.constant 0 : i32
    %dma_wait3A_417 = tpu.memref_slice %dma_wait3A_415[%add3A_403, %dma_wait3A_416] : memref<819200x128xf32, #tpu.memory_space<hbm>> -> memref<128x128xf32, #tpu.memory_space<hbm>>
    %dma_wait3A_418 = arith.constant 0 : i32
    %dma_wait3A_419 = arith.constant 0 : i32
    %dma_wait3A_420 = tpu.memref_slice %arg6[%dma_wait3A_404, %dma_wait3A_418, %dma_wait3A_419] : memref<7x128x128xf32, #tpu.memory_space<vmem>> -> memref<1x128x128xf32, #tpu.memory_space<vmem>>
    %dma_wait3A_421 = tpu.memref_squeeze %dma_wait3A_420 : memref<1x128x128xf32, #tpu.memory_space<vmem>> -> memref<128x128xf32, #tpu.memory_space<vmem>>
    tpu.wait_dma2 semaphore(%dma_wait3A_414 : memref<!tpu.dma_semaphore, #tpu.memory_space<semaphore_mem>>) src(%dma_wait3A_421 : memref<128x128xf32, #tpu.memory_space<vmem>>) dst(%dma_wait3A_417 : memref<128x128xf32, #tpu.memory_space<hbm>>)
    return
  }
}

</mosaic_0001>

<sc_bundles>
// kernel: _run.3.cloned.1.call-start
scs
__scs_entry_jumppad:
0x0: {  	(pc) =	sbr.rel $0x88, $3  }
0x1: {  	(tag) =	ssettag $0x0;
	lr =	simm.s32 $0x1  }
0x2: {  	[smem:$0x3F9F] =	sst lr;
	_ =	strace $0xD0000000  }
0x3: {  	_ = 	snop  }
0x4: {  	_ = 	snop  }
0x5: {  	_ = 	snop  }
0x6: {  	_ = 	snop  }
0x7: {  	_ = 	snop  }
__scs_overlays_trampoline_lowered:
0x8: {  	[smem:$0x3FAE] =	sst s0  }
0x9: {  	[smem:$0x3FAF] =	sst s1  }
0xa: {  	[smem:$0x3FB0] =	sst s2  }
0xb: {  	[smem:$0x3FB1] =	sst s3  }
0xc: {  	[smem:$0x3FB2] =	sst s4  }
0xd: {  	[smem:$0x3FB3] =	sst s5  }
0xe: {  	[smem:$0x3FB4] =	sst s6  }
0xf: {  	[smem:$0x3FB5] =	sst s7  }
0x10: {  	[smem:$0x3FB6] =	sst s8  }
0x11: {  	[smem:$0x3FB7] =	sst s9;
	s0 =	simm.s32 @!p0 $0x0  }
0x12: {  	s1 =	sld [smem:$0x3F9D];
	s0 =	simm.s32 @p0 $0x1  }
0x13: {  	[smem:$0x3FB8] =	sst s0;
	s0 =	simm.s32 @!p1 $0x0  }
0x14: {  	s2 =	sld [smem:$0x3F9C];
	s0 =	simm.s32 @p1 $0x1  }
0x15: {  	[smem:$0x3FB9] =	sst s0;
	s0 =	simm.s32 @!p2 $0x0  }
0x16: {  	s3 =	sld [smem:$0x3FDB];
	s0 =	simm.s32 @p2 $0x1  }
0x17: {  	s4 =	simm.s32 $0x1BF5;
	[smem:$0x3FBB] =	sst s0  }
0x18: {  	s0 =	sld [smem:$0x3F9E];
	_ =	swait.ge [sflag:s4], $0x0  }
0x19: {  	s7 =	sld [smem:$0x3F9F]  }
0x1a: {  	s8 =	sadd.s32 $0xFFFFE003, lr  }
0x1b: {  	s9 =	sadd.s32 $0xFFFFFEF7, lr;
	s5 =	simm.s32 $0xFFFFFFFF;
	p2 =	slt.u32 s8, $0xFFFFF086  }
0x1c: {  	p1 =	slt.u32 s9, $0xF7A;
	s5 =	simm.s32 @!p2 $0x0  }
0x1d: {  	s5 =	simm.s32 @p1 $0x1;
	p0 =	seq.s32 s7, s2  }
0x1e: {  	s7 =	smul.u32 @!p0 $0xF7A, s2;
	p2 =	seq.s32 @!p0 s5, $0x0  }
0x1f: {  	s9 =	smul.u32 $0xF7A, s1;
	s8 =	simm.s32 @!p0 $0x1BF5;
	p2 =	por !p2, p0  }
0x20: {  	[sflag:s8] =	ssyncset.s32 @!p0 $0xFFFFF086;
	s6 =	sadd.s32 @!p0 s3, s7;
	s7 =	simm.s32 @!p0 $0x108  }
0x21: {  	s3 =	sadd.s32 s3, s9;
	s6 =	sadd.s32 @!p0 $0x88, s6;
	s7 =	simm.s32 @p2 $0x1082  }
0x22: {  	[simem:s7], [sflag:s8] =	dma.local @!p0 [hbm:s6], $0xF7A  }
0x23: {  	s9 =	sor.u32 $0xD0000000, s2;
	s6 =	simm.s32 $0x108;
	_ =	swait.ge @!p0 [sflag:s8], $0x0  }
0x24: {  	s3 =	sadd.s32 $0x88, s3;
	s6 =	simm.s32 @!p1 $0x1082;
	[sflag:s4] =	ssyncset.s32 $0xFFFFF086  }
0x25: {  	[simem:s6], [sflag:s4] =	dma.local [hbm:s3], $0xF7A  }
0x26: {  	[smem:$0x3F9F] =	sst s1;
	(tag) =	ssettag s2;
	_ =	strace s9  }
0x27: {  	s1 =	sld [smem:$0x3FAF]  }
0x28: {  	s2 =	sld [smem:$0x3FB0]  }
0x29: {  	s4 =	sld [smem:$0x3FB2]  }
0x2a: {  	p0 =	seq.s32 s5, $0x0;
	s5 =	sld [smem:$0x3FB3]  }
0x2b: {  	s6 =	sld [smem:$0x3FB4]  }
0x2c: {  	s7 =	sld [smem:$0x3FB5]  }
0x2d: {  	s3 =	simm.s32 $0x108;
	s8 =	sld [smem:$0x3FB6]  }
0x2e: {  	s3 =	simm.s32 @!p0 $0x1082;
	s9 =	sld [smem:$0x3FB7]  }
0x2f: {  	lr =	sadd.s32 s0, s3;
	s0 =	sld [smem:$0x3FAE]  }
0x30: {  	s3 =	sld [smem:$0x3FB1]  }
0x31: {  	[smem:$0x3FBA] =	sst s10  }
0x32: {  	s10 =	sld [smem:$0x3FB8];
	_ =	sdelay $0x3  }
0x33: {  	p0 =	seq.s32 s10, $0x1;
	s10 =	sld [smem:$0x3FBA];
	_ =	sdelay $0x3  }
0x34: {  	[smem:$0x3FBA] =	sst s10  }
0x35: {  	s10 =	sld [smem:$0x3FB9];
	_ =	sdelay $0x3  }
0x36: {  	p1 =	seq.s32 s10, $0x1;
	s10 =	sld [smem:$0x3FBA];
	_ =	sdelay $0x3  }
0x37: {  	[smem:$0x3FBA] =	sst s10  }
0x38: {  	s10 =	sld [smem:$0x3FBB]  }
0x39: {  	_ = 	snop;
	(pc) =	sbr.ind lr, $3  }
0x3a: {  	_ = 	snop  }
0x3b: {  	_ = 	snop  }
0x3c: {  	p2 =	seq.s32 s10, $0x1;
	s10 =	sld [smem:$0x3FBA]  }
0x3d: {  	_ =	shalt  }
0x3e: {  	_ =	shalt  }
0x3f: {  	_ =	shalt  }
0x40: {  	_ =	shalt  }
0x41: {  	_ =	shalt  }
0x42: {  	_ =	shalt  }
0x43: {  	_ =	shalt  }
0x44: {  	_ =	shalt  }
0x45: {  	_ =	shalt  }
0x46: {  	_ =	shalt  }
0x47: {  	_ =	shalt  }
0x48: {  	_ =	shalt  }
0x49: {  	_ =	shalt  }
0x4a: {  	_ =	shalt  }
0x4b: {  	_ =	shalt  }
0x4c: {  	_ =	shalt  }
0x4d: {  	_ =	shalt  }
0x4e: {  	_ =	shalt  }
0x4f: {  	_ =	shalt  }
0x50: {  	_ =	shalt  }
0x51: {  	_ =	shalt  }
0x52: {  	_ =	shalt  }
0x53: {  	_ =	shalt  }
0x54: {  	_ =	shalt  }
0x55: {  	_ =	shalt  }
0x56: {  	_ =	shalt  }
0x57: {  	_ =	shalt  }
0x58: {  	_ =	shalt  }
0x59: {  	_ =	shalt  }
0x5a: {  	_ =	shalt  }
0x5b: {  	_ =	shalt  }
0x5c: {  	_ =	shalt  }
0x5d: {  	_ =	shalt  }
0x5e: {  	_ =	shalt  }
0x5f: {  	_ =	shalt  }
0x60: {  	_ =	shalt  }
0x61: {  	_ =	shalt  }
0x62: {  	_ =	shalt  }
0x63: {  	_ =	shalt  }
0x64: {  	_ =	shalt  }
0x65: {  	_ =	shalt  }
0x66: {  	_ =	shalt  }
0x67: {  	_ =	shalt  }
0x68: {  	_ =	shalt  }
0x69: {  	_ =	shalt  }
0x6a: {  	_ =	shalt  }
0x6b: {  	_ =	shalt  }
0x6c: {  	_ =	shalt  }
0x6d: {  	_ =	shalt  }
0x6e: {  	_ =	shalt  }
0x6f: {  	_ =	shalt  }
0x70: {  	_ =	shalt  }
0x71: {  	_ =	shalt  }
0x72: {  	_ =	shalt  }
0x73: {  	_ =	shalt  }
0x74: {  	_ =	shalt  }
0x75: {  	_ =	shalt  }
0x76: {  	_ =	shalt  }
0x77: {  	_ =	shalt  }
0x78: {  	_ =	shalt  }
0x79: {  	_ =	shalt  }
0x7a: {  	_ =	shalt  }
0x7b: {  	_ =	shalt  }
0x7c: {  	_ =	shalt  }
0x7d: {  	_ =	shalt  }
0x7e: {  	_ =	shalt  }
0x7f: {  	_ =	shalt  }
0x80: {  	_ =	shalt  }
0x81: {  	_ =	shalt  }
0x82: {  	_ =	shalt  }
0x83: {  	_ =	shalt  }
0x84: {  	_ =	shalt  }
0x85: {  	_ =	shalt  }
0x86: {  	_ =	shalt  }
0x87: {  	_ =	shalt  }
.Lfunc_end0:
.L_simem_size_0:
called_computation_lowered:
.L_overlay_start_0:
0x88: {  	s2 =	sld [smem:$0x3FD9]  }
0x89: {  	s3 =	sld [smem:$0x3FFE];
	_ =	sdelay $0x1  }
0x8a: {  	s1 =	srdreg.scid  }
0x8b: {  	s0 =	sand.u32 $0x1, s1  }
0x8c: {  	s18 =	sshll.u32 s0, $0xA;
	s2 =	sadd.s32 s3, s2  }
0x8d: {  	s2 =	sadd.s32 s2, s18  }
0x8e: {  	[smem:$0x3FC6] =	sst s2  }
0x8f: {  	_ = 	snop  }
0x90: {  	s2 =	sld [smem:$0x3FC9]  }
0x91: {  	s19 =	sld [smem:$0x3FC8]  }
0x92: {  	s4 =	sld [smem:$0x3FD0];
	(tm) =	ssettm $0x1  }
0x93: {  	s5 =	sld [smem:$0x3FFB];
	_ =	sdelay $0x3  }
0x94: {  	_ =	strace s5  }
0x95: {  	s5 =	sld [smem:$0x3FFC];
	_ =	sdelay $0x3  }
0x96: {  	_ =	strace s5  }
0x97: {  	s5 =	sld [smem:$0x3FFD];
	_ =	sdelay $0x3  }
0x98: {  	_ =	strace s5  }
0x99: {  	_ =	strace $0x8FFFFFFF  }
0x9a: {  	s20 =	sld [smem:$0x3FDB];
	_ =	sdelay $0x1  }
0x9b: {  	s6 =	simm.s32 $_scs_section_size  }
0x9c: {  	s7 =	simm.s32 $_size__tile_overlayer_lowered;
	s8 =	simm.s32 $_tile_overlayer_lowered  }
0x9d: {  	s23 =	simm.s32 $0x1BFF;
	s22 =	sshll.u32 s8, $0x1;
	s5 =	sadd.s32 s6, s20  }
0x9e: {  	s9 =	simm.s32 $0x0;
	s21 =	sshll.u32 s7, $0x1;
	s7 =	sadd.s32 s22, s5  }
0x9f: {  	[timem:s9], [sflag:s23] =	dma.local [hbm:s7], s21  }
0xa0: {  	_ =	swait.ge [sflag:s23], s21  }
0xa1: {  	s6 =	ssub.s32 $0x0, s21;
	[sflag:s23] =	ssyncset.done $0x0  }
0xa2: {  	[sflag:s23] =	ssyncadd.s32 s6;
	_ =	sdelay $0x1  }
0xa3: {  	s24 =	simm.s32 $0x1B8B  }
0xa4: {  	_ =	swait.ge [sflag:s24], $0x1  }
0xa5: {  	[sflag:s24] =	ssyncset.done $0x0  }
0xa6: {  	s25 =	simm.s32 $0x1B8E;
	[sflag:s24] =	ssyncadd.s32 $0xFFFFFFFF  }
0xa7: {  	s26 =	simm.s32 $execute0_lowered;
	[smem:$0x3FD2] =	sst s25  }
0xa8: {  	s6 =	sshll.u32 s26, $0x1;
	_ =	strace $0x80000046;
	[dreg:$0x1] =	wrdreg $0xFFFFFFFF  }
0xa9: {  	s28 =	simm.s32 $_size_execute0_lowered;
	s5 =	sadd.s32 s5, s6;
	[dreg:$0x0] =	wrdreg $0x0  }
0xaa: {  	s6 =	sshll.u32 s28, $0x1;
	[dreg:$0x2] =	wrdreg s5  }
0xab: {  	[dreg:$0x3] =	wrdreg s6  }
0xac: {  	[dreg:$0x4] =	wrdreg $0xC0  }
0xad: {  	_ =	task [dreg:s9], $0x5FFFF  }
0xae: {  	[dreg:$0x1] =	wrdreg $0xFFFFFFFF  }
0xaf: {  	[dreg:$0x0] =	wrdreg $0x60  }
0xb0: {  	[dreg:$0x2] =	wrdreg s2  }
0xb1: {  	[dreg:$0x3] =	wrdreg s19  }
0xb2: {  	[dreg:$0x4] =	wrdreg s4  }
0xb3: {  	[dreg:$0x5] =	wrdreg $0x9  }
0xb4: {  	_ =	task.clear_ibuf [dreg:s9], $0x6FFFF;
	_ =	strace $0x90000046  }
0xb5: {  	s29 =	simm.s32 $0x9;
	_ =	strace $0x80000048  }
0xb6: {  	_ =	swait.ge [sflag:s29], $0x1  }
0xb7: {  	[sflag:s29] =	ssyncadd.s32 $0xFFFFFFFF  }
0xb8: {  	_ =	strace $0x90000048  }
0xb9: {  	_ =	sfence  }
0xba: {  	s30 =	sld [smem:$0x0];
	_ =	sdelay $0x2  }
0xbb: {  	s31 =	sshll.u32 s1, $0xD;
	s1 =	sshrl.u32 s1, $0x2  }
0xbc: {  	s3 =	sand.u32 $0x4000, s31;
	s1 =	sadd.s32 s1, s30  }
0xbd: {  	s0 =	sor.u32 s3, s0;
	s1 =	sshll.u32 s1, $0x11  }
0xbe: {  	s0 =	sor.u32 s1, s0  }
0xbf: {  	s0 =	sadd.s32 $0x8F2B, s0  }
0xc0: {  	[sflag:s0] =	ssyncadd.remote.s32 $0x1  }
0xc1: {  	_ =	sfence.sel $0xFFFF  }
0xc2: {  	[dreg:$0x0] =	wrdreg $0xFFFFFFFF;
	(pc) =	sbr.abs _section_cstart, $3  }
0xc3: {  	[dreg:$0x1] =	wrdreg $0xFFFFFFFF  }
0xc4: {  	_ =	task.clear_ibuf [dreg:s9], $0x2FFFF;
	_ =	strace $0x9FFFFFFF  }
0xc5: {  	(tm) =	ssettm $0x7FFFFFFF  }
tec
execute0_lowered:
.L_overlay_start_1:
0x0: {  	(tag) =	ssettag $0x1  }
0x1: {  	s0 =	srdreg.scid;
	s2 =	rddreg [dreg:$0x0]  }
0x2: {  	s10 =	stileid.u32;
	s3 =	rddreg [dreg:$0x1]  }
0x3: {  	s6 =	rddreg [dreg:$0x2];
	s19 =	smul.u32 $0x190, s10  }
0x4: {  	s0 =	sand.u32 $0x1, s0;
	s1 =	sshll.u32 s10, $0x1;
	s21 =	smul.u32 $0x640000, s10  }
0x5: {  	s4 =	simm.s32 $0x0;
	s1 =	sor.u32 s0, s1;
	s8 =	smul.u32 $0xC8, s0  }
0x6: {  	s16 =	simm.s32 $0x80;
	s30 =	simm.s32 $0x14;
	s5 =	smul.u32 $0x6400, s1  }
0x7: {  	s31 =	simm.s32 $0x15;
	[smem:$0x7FF] =	sst s4;
	s7 =	smul.u32 $0x12000, s1  }
0x8: {  	_ =	strace $0x80000047;
	s20 =	ssub.s32 $0x2, s0;
	s1 =	smul.u32 $0xC8, s1  }
0x9: {  	s0 =	smul.u32 $0x320000, s0;
	s5 =	sand.u32 $0xE0000, s5;
	s7 =	sand.u32 $0x1E000, s7  }
0xa: {  	s9 =	sshrl.u32 s20, $0x1;
	s1 =	sand.u32 $0x380, s1;
	s5 =	sor.u32 s7, s5  }
0xb: {  	s0 =	sadd.s32 s0, s21;
	s7 =	ssub.s32 s20, s9;
	s1 =	sor.u32 s1, s5  }
0xc: {  	s0 =	sshrl.u32 s0, $0x3;
	s28 =	smax.u32 s7, $0x1;
	s1 =	sshrl.u32 s1, $0x3  }
0xd: {  	s15 =	sadd.s32 s0, s6;
	[dreg:$0xa] =	wrdreg s28;
	s11 =	sadd.s32 s2, s1  }
0xe: {  	s0 =	simm.s32 $0x10;
	s22 =	sadd.s32 $0x80, s11;
	[dreg:$0x4] =	wrdreg s11  }
0xf: {  	s20 =	simm.s32 $0x12;
	s23 =	sadd.s32 $0x100, s11;
	[dreg:$0x5] =	wrdreg s22  }
0x10: {  	s1 =	simm.s32 $0x16;
	s24 =	sadd.s32 $0x180, s11;
	[dreg:$0x6] =	wrdreg s23  }
0x11: {  	s25 =	sadd.s32 $0x200, s11;
	s26 =	sadd.s32 $0x280, s11;
	[dreg:$0x7] =	wrdreg s24  }
0x12: {  	s11 =	sadd.s32 s8, s19;
	s19 =	simm.s32 $0x11;
	[dreg:$0x8] =	wrdreg s25  }
0x13: {  	[dreg:$0x9] =	wrdreg s26;
	s29 =	sor.u32 $0x6, s11;
	s22 =	simm.s32 $0x13  }
0x14: {  	s24 =	simm.s32 $0x0;
	s8 =	sshll.u32 s29, $0x7;
	s14 =	sshll.u32 s29, $0xA  }
.LBB2_1:
0x15: {  	s5 =	rddreg [dreg:$0x4]  }
0x16: {  	[tilespmem:s4], [sflag:$0x1] =	stream.linear.gather [hbm4b:s5+s4], $0x80, $0x38;
	[tilespmem:$0x1C400] =	vst v63  }
0x17: {  	s18 =	rddreg [dreg:$0x5]  }
0x18: {  	[tilespmem:s16], [sflag:$0x2] =	stream.linear.gather [hbm4b:s18+s4], $0x80, $0x38;
	[tilespmem:$0x1C400] =	vst v63  }
0x19: {  	s21 =	rddreg [dreg:$0x6];
	s6 =	simm.s32 $0x100  }
0x1a: {  	[tilespmem:s6], [sflag:$0x3] =	stream.linear.gather [hbm4b:s21+s4], $0x80, $0x38;
	[tilespmem:$0x1C400] =	vst v63  }
0x1b: {  	s23 =	rddreg [dreg:$0x7];
	s7 =	simm.s32 $0x180  }
0x1c: {  	[tilespmem:s7], [sflag:$0x4] =	stream.linear.gather [hbm4b:s23+s4], $0x80, $0x38;
	[tilespmem:$0x1C400] =	vst v63  }
0x1d: {  	s25 =	rddreg [dreg:$0x8];
	s9 =	simm.s32 $0x200  }
0x1e: {  	[tilespmem:s9], [sflag:$0x5] =	stream.linear.gather [hbm4b:s25+s4], $0x80, $0x38;
	[tilespmem:$0x1C400] =	vst v63  }
0x1f: {  	s26 =	rddreg [dreg:$0x9];
	s28 =	simm.s32 $0x280;
	s10 =	simm.s32 $0x1  }
0x20: {  	[tilespmem:s28], [sflag:$0x6] =	stream.linear.gather [hbm4b:s26+s4], $0x80, $0x38;
	[tilespmem:$0x1C400] =	vst v63  }
0x21: {  	_ =	swait.ge [sflag:s10], $0x80  }
0x22: {  	[sflag:s10] =	ssyncset.done $0x0  }
0x23: {  	s12 =	simm.s32 $0x400;
	s13 =	simm.s32 $0x2;
	[sflag:s10] =	ssyncadd.s32 $0xFFFFFF80  }
0x24: {  	[tilespmem:s12], [sflag:$0x9] =	stream.indirect.gather [hbm4b:s3+s16], $0x80, s4, s16, $0xb8;
	[tilespmem:$0x1C400] =	vst v63  }
0x25: {  	_ =	swait.ge [sflag:s13], $0x80  }
0x26: {  	s17 =	simm.s32 $0x4400;
	s25 =	simm.s32 $0x0;
	[sflag:s13] =	ssyncset.done $0x0  }
0x27: {  	s18 =	simm.s32 $0x3;
	s5 =	smul.u32 $0x25, s25;
	[sflag:s13] =	ssyncadd.s32 $0xFFFFFF80  }
0x28: {  	[tilespmem:s17], [sflag:$0xA] =	stream.indirect.gather [hbm4b:s3+s16], $0x80, s16, s16, $0xb8;
	[tilespmem:$0x1C400] =	vst v63  }
0x29: {  	_ =	swait.ge [sflag:s18], $0x80  }
0x2a: {  	s21 =	simm.s32 $0x8400;
	s5 =	sshrl.u32 s5, $0x8;
	[sflag:s18] =	ssyncset.done $0x0  }
0x2b: {  	s23 =	simm.s32 $0x4;
	s28 =	ssub.s32 $0x0, s5;
	[sflag:s18] =	ssyncadd.s32 $0xFFFFFF80  }
0x2c: {  	[tilespmem:s21], [sflag:$0xB] =	stream.indirect.gather [hbm4b:s3+s16], $0x80, s6, s16, $0xb8;
	[tilespmem:$0x1C400] =	vst v63  }
0x2d: {  	p1 =	por $0x0, $0x0;
	s6 =	sand.u32 $0xFE, s28;
	_ =	swait.ge [sflag:s23], $0x80  }
0x2e: {  	s9 =	simm.s32 $0x4;
	s6 =	sshrl.u32 s6, $0x1;
	[sflag:s23] =	ssyncset.done $0x0  }
0x2f: {  	s26 =	simm.s32 $0xC400;
	s5 =	sadd.s32 s5, s6;
	[sflag:s23] =	ssyncadd.s32 $0xFFFFFF80  }
0x30: {  	[tilespmem:s26], [sflag:$0xC] =	stream.indirect.gather [hbm4b:s3+s16], $0x80, s7, s16, $0xb8;
	[tilespmem:$0x1C400] =	vst v63  }
0x31: {  	s5 =	sand.u32 $0xFC, s5;
	s7 =	smul.u32 @!p1 $0x25, s9  }
0x32: {  	s5 =	sshrl.u32 s5, $0x2  }
0x33: {  	s29 =	sadd.s32 $0x800, s15;
	s5 =	smul.u32 $0x7, s5;
	s6 =	sshrl.u32 @!p1 s7, $0x8  }
0x34: {  	p0 =	por @!p1 $0x0, $0x0;
	p2 =	por @!p1 $0x1, $0x1;
	s7 =	ssub.s32 @!p1 $0x4, s6  }
0x35: {  	p0 =	por p0, p1;
	s5 =	ssub.s32 $0x0, s5;
	s7 =	sand.u32 @!p1 $0xFE, s7  }
0x36: {  	p2 =	por p2, p1;
	s5 =	sand.u32 $0xFF, s5;
	s7 =	sshrl.u32 @!p1 s7, $0x1  }
0x37: {  	s10 =	simm.s32 $0x6;
	s13 =	sadd.s32 $0x9, s5;
	s6 =	sadd.s32 @!p1 s6, s7  }
0x38: {  	s17 =	sshll.u32 s5, $0xE;
	_ =	swait.ge [sflag:s13], $0x4000;
	s6 =	sand.u32 @!p1 $0xFC, s6  }
0x39: {  	s5 =	sor.u32 $0x10, s5;
	[sflag:s13] =	ssyncset.done $0x0;
	s6 =	sshrl.u32 @!p1 s6, $0x2  }
0x3a: {  	s17 =	sor.u32 $0x400, s17;
	[sflag:s13] =	ssyncadd.s32 $0xFFFFC000;
	s6 =	smul.u32 @!p1 $0x7, s6  }
0x3b: {  	[hbm4b:s15+s4] =	stream.linear.scatter [tilespmem:s17], [sflag:s5], $0x4000, $0x38;
	[tilespmem:$0x1C400] =	vst v63  }
0x3c: {  	s12 =	sand.u32 @!p0 $0x1FC00, s14;
	s7 =	sadd.s32 @!p0 $0x6, s11;
	s6 =	ssub.s32 @!p1 $0x4, s6  }
0x3d: {  	s10 =	sand.u32 @!p0 $0x7, s10;
	s7 =	sand.u32 @!p0 $0x380, s7;
	s6 =	sand.u32 @!p1 $0xFF, s6  }
0x3e: {  	s12 =	sor.u32 @!p0 s7, s12;
	s5 =	sand.u32 @!p0 $0x7FFE0000, s8;
	s13 =	sadd.s32 @!p2 $0x10, s6  }
0x3f: {  	s18 =	sshll.u32 @!p0 s10, $0x7;
	s5 =	sor.u32 @!p0 s5, s12;
	_ =	swait.ge @!p2 [sflag:s13], $0x4000  }
0x40: {  	s9 =	sand.u32 @!p1 $0x7, s9;
	s5 =	sshrl.u32 @!p0 s5, $0x3;
	[sflag:s13] =	ssyncset.done @!p2 $0x0  }
0x41: {  	s12 =	sadd.s32 @!p0 s2, s5;
	s5 =	sadd.s32 @!p1 $0x1, s9;
	[sflag:s13] =	ssyncadd.s32 @!p2 $0xFFFFC000  }
0x42: {  	s26 =	simm.s32 $0x7;
	s9 =	sshll.u32 @!p1 s9, $0x7;
	_ =	swait.ge @!p1 [sflag:s5], $0x80  }
0x43: {  	s13 =	sshll.u32 @!p1 s6, $0xE;
	s6 =	sadd.s32 @!p1 $0x9, s6;
	[sflag:s5] =	ssyncset.done @!p1 $0x0  }
0x44: {  	s13 =	sor.u32 @!p1 $0x400, s13;
	[sflag:s5] =	ssyncadd.s32 @!p1 $0xFFFFFF80;
	s5 =	simm.s32 @!p1 $0x80  }
0x45: {  	[tilespmem:s13], [sflag:s6] =	stream.indirect.gather @!p1 [hbm4b:s3+s5], $0x80, s9, s5, $0xb8;
	[tilespmem:$0x1C400] =	vst v63  }
0x46: {  	s7 =	simm.s32 $0x8;
	s17 =	simm.s32 @!p0 $0x0;
	s5 =	sadd.s32 @!p0 $0x1, s10  }
0x47: {  	s6 =	sadd.s32 $0x400, s14;
	s9 =	simm.s32 $0x1;
	s13 =	smov.u32 s8  }
.LBB2_2:
0x48: {  	s21 =	smul.u32 $0x25, s9;
	s13 =	sadd.s32 $0x80, s13  }
0x49: {  	s10 =	smov.u32 s26;
	s26 =	smov.u32 s7;
	s7 =	sadd.s32 $0x1, s7  }
0x4a: {  	[tilespmem:s18], [sflag:s5] =	stream.linear.gather @!p0 [hbm4b:s12+s17], $0x80, $0x38;
	[tilespmem:$0x1C400] =	vst v63  }
0x4b: {  	p1 =	sne.s32 s7, $0xCE;
	s5 =	sshrl.u32 s21, $0x8  }
0x4c: {  	p2 =	sgt.u32 s9, $0xC3;
	s17 =	sadd.s32 $0xFFFFFFFE, s10;
	s12 =	ssub.s32 s9, s5  }
0x4d: {  	p3 =	slt.u32 @!p2 s9, $0x3;
	s18 =	smul.u32 @!p2 $0x25, s17;
	s12 =	sand.u32 $0xFE, s12  }
0x4e: {  	p0 =	sgt.u32 @!p2 s9, $0xC1;
	s21 =	sand.u32 @!p2 $0x7, s17;
	s12 =	sshrl.u32 s12, $0x1  }
0x4f: {  	p0 =	por p0, p2;
	s5 =	sadd.s32 s5, s12;
	s12 =	sshrl.u32 @!p2 s18, $0x8  }
0x50: {  	s23 =	sadd.s32 @!p0 s10, s11;
	s5 =	sand.u32 $0xFC, s5;
	s18 =	ssub.s32 @!p2 s17, s12  }
0x51: {  	s23 =	sand.u32 @!p0 $0x380, s23;
	s5 =	sshrl.u32 s5, $0x2;
	s18 =	sand.u32 @!p2 $0xFE, s18  }
0x52: {  	s25 =	sand.u32 @!p0 $0x1FC00, s6;
	s5 =	smul.u32 $0x7, s5;
	s18 =	sshrl.u32 @!p2 s18, $0x1  }
0x53: {  	s23 =	sor.u32 @!p0 s23, s25;
	s12 =	sadd.s32 @!p2 s12, s18;
	s18 =	sand.u32 @!p0 $0x7FFE0000, s13  }
0x54: {  	s5 =	ssub.s32 s9, s5;
	s9 =	sand.u32 @!p2 $0xFC, s12;
	s12 =	sor.u32 @!p0 s18, s23  }
0x55: {  	s5 =	sand.u32 $0xFF, s5;
	s9 =	sshrl.u32 @!p2 s9, $0x2;
	s12 =	sshrl.u32 @!p0 s12, $0x3  }
0x56: {  	s18 =	sadd.s32 $0x9, s5;
	s23 =	sshll.u32 s5, $0xE;
	s9 =	smul.u32 @!p2 $0x7, s9  }
0x57: {  	p3 =	por p3, p2;
	s12 =	sadd.s32 @!p0 s2, s12;
	_ =	swait.ge [sflag:s18], $0x4000  }
0x58: {  	s23 =	sor.u32 $0x400, s23;
	[sflag:s18] =	ssyncset.done $0x0;
	s9 =	ssub.s32 @!p2 s17, s9  }
0x59: {  	s5 =	sor.u32 $0x10, s5;
	[sflag:s18] =	ssyncadd.s32 $0xFFFFC000;
	s9 =	sand.u32 @!p2 $0xFF, s9  }
0x5a: {  	[hbm4b:s29+s4] =	stream.linear.scatter [tilespmem:s23], [sflag:s5], $0x4000, $0x38;
	[tilespmem:$0x1C400] =	vst v63  }
0x5b: {  	s5 =	sadd.s32 @!p3 $0x10, s9;
	s17 =	sshll.u32 @!p2 s9, $0xE;
	s23 =	sadd.s32 @!p2 $0x9, s9  }
0x5c: {  	s25 =	sshll.u32 @!p2 s21, $0x7;
	s28 =	sor.u32 @!p2 $0x400, s17;
	_ =	swait.ge @!p3 [sflag:s5], $0x4000  }
0x5d: {  	s9 =	sand.u32 @!p0 $0x7, s10;
	s17 =	simm.s32 @!p0 $0x0;
	[sflag:s5] =	ssyncset.done @!p3 $0x0  }
.Ltmp0:
0x5e: {  	s10 =	sadd.s32 @!p2 $0x1, s21;
	[sflag:s5] =	ssyncadd.s32 @!p3 $0xFFFFC000;
	(pc) =	sbr.rel @p1 .LBB2_2-.Ltmp0, $4  }
0x5f: {  	s18 =	sshll.u32 @!p0 s9, $0x7;
	s5 =	sadd.s32 @!p0 $0x1, s9;
	_ =	swait.ge @!p2 [sflag:s10], $0x80  }
0x60: {  	s6 =	sadd.s32 $0x400, s6;
	s29 =	sadd.s32 $0x800, s29;
	[sflag:s10] =	ssyncset.done @!p2 $0x0  }
0x61: {  	s9 =	sadd.s32 $0xFFFFFFFA, s26;
	[sflag:s10] =	ssyncadd.s32 @!p2 $0xFFFFFF80;
	s10 =	simm.s32 @!p2 $0x80  }
0x62: {  	[tilespmem:s28], [sflag:s23] =	stream.indirect.gather @!p2 [hbm4b:s3+s10], $0x80, s25, s10, $0xb8;
	[tilespmem:$0x1C400] =	vst v63  }
0x63: {  	s7 =	smul.u32 $0x25, s9  }
0x64: {  	[tilespmem:s18], [sflag:s5] =	stream.linear.gather @!p0 [hbm4b:s12+s17], $0x80, $0x38;
	[tilespmem:$0x1C400] =	vst v63  }
0x65: {  	s23 =	sshrl.u32 s7, $0x8  }
0x66: {  	s10 =	sadd.s32 $0xFFFFFFFE, s26;
	p0 =	sgt.u32 s9, $0xC3;
	s7 =	ssub.s32 s9, s23  }
0x67: {  	s12 =	smul.u32 @!p0 $0x25, s10;
	s7 =	sand.u32 $0xFE, s7  }
0x68: {  	s7 =	sshrl.u32 s7, $0x1  }
0x69: {  	s5 =	sadd.s32 s23, s7;
	s7 =	sshrl.u32 @!p0 s12, $0x8  }
0x6a: {  	s5 =	sand.u32 $0xFC, s5;
	s12 =	ssub.s32 @!p0 s10, s7  }
0x6b: {  	s5 =	sshrl.u32 s5, $0x2;
	s12 =	sand.u32 @!p0 $0xFE, s12  }
0x6c: {  	p1 =	sgt.u32 @!p0 s9, $0xC1;
	s5 =	smul.u32 $0x7, s5;
	s12 =	sshrl.u32 @!p0 s12, $0x1  }
0x6d: {  	p2 =	slt.u32 @!p0 s9, $0x3;
	p1 =	por p1, p0;
	s7 =	sadd.s32 @!p0 s7, s12  }
0x6e: {  	p2 =	por p2, p0;
	s5 =	ssub.s32 s9, s5;
	s7 =	sand.u32 @!p0 $0xFC, s7  }
0x6f: {  	s6 =	sand.u32 @!p1 $0x1FC00, s6;
	s5 =	sand.u32 $0xFF, s5;
	s7 =	sshrl.u32 @!p0 s7, $0x2  }
0x70: {  	s12 =	sadd.s32 @!p1 s26, s11;
	s25 =	sadd.s32 $0x9, s5;
	s7 =	smul.u32 @!p0 $0x7, s7  }
0x71: {  	s9 =	sand.u32 @!p1 $0x380, s12;
	s28 =	sshll.u32 s5, $0xE;
	_ =	swait.ge [sflag:s25], $0x4000  }
0x72: {  	s5 =	sor.u32 $0x10, s5;
	[sflag:s25] =	ssyncset.done $0x0;
	s7 =	ssub.s32 @!p0 s10, s7  }
0x73: {  	s17 =	sor.u32 $0x400, s28;
	[sflag:s25] =	ssyncadd.s32 $0xFFFFC000;
	s7 =	sand.u32 @!p0 $0xFF, s7  }
0x74: {  	[hbm4b:s29+s4] =	stream.linear.scatter [tilespmem:s17], [sflag:s5], $0x4000, $0x38;
	[tilespmem:$0x1C400] =	vst v63  }
0x75: {  	s13 =	sadd.s32 $0x80, s13;
	s6 =	sor.u32 @!p1 s9, s6;
	s9 =	sadd.s32 @!p2 $0x10, s7  }
0x76: {  	s12 =	sand.u32 @!p1 $0x7, s26;
	s5 =	sand.u32 @!p1 $0x7FFE0000, s13;
	_ =	swait.ge @!p2 [sflag:s9], $0x4000  }
0x77: {  	s5 =	sor.u32 @!p1 s5, s6;
	s6 =	sand.u32 @!p0 $0x7, s10;
	[sflag:s9] =	ssyncset.done @!p2 $0x0  }
0x78: {  	s10 =	sshll.u32 @!p0 s7, $0xE;
	[sflag:s9] =	ssyncadd.s32 @!p2 $0xFFFFC000;
	s9 =	sadd.s32 @!p0 $0x1, s6  }
0x79: {  	s7 =	sadd.s32 @!p0 $0x9, s7;
	s5 =	sshrl.u32 @!p1 s5, $0x3;
	_ =	swait.ge @!p0 [sflag:s9], $0x80  }
0x7a: {  	s10 =	sor.u32 @!p0 $0x400, s10;
	s5 =	sadd.s32 @!p1 s2, s5;
	[sflag:s9] =	ssyncset.done @!p0 $0x0  }
0x7b: {  	s6 =	sshll.u32 @!p0 s6, $0x7;
	[sflag:s9] =	ssyncadd.s32 @!p0 $0xFFFFFF80;
	s9 =	simm.s32 @!p0 $0x80  }
0x7c: {  	[tilespmem:s10], [sflag:s7] =	stream.indirect.gather @!p0 [hbm4b:s3+s9], $0x80, s6, s9, $0xb8;
	[tilespmem:$0x1C400] =	vst v63  }
0x7d: {  	s6 =	simm.s32 @!p1 $0x0;
	s7 =	sshll.u32 @!p1 s12, $0x7;
	s9 =	sadd.s32 @!p1 $0x1, s12  }
0x7e: {  	[tilespmem:s7], [sflag:s9] =	stream.linear.gather @!p1 [hbm4b:s5+s6], $0x80, $0x38;
	[tilespmem:$0x1C400] =	vst v63  }
0x7f: {  	_ =	swait.ge [sflag:s30], $0x4000  }
0x80: {  	[sflag:s30] =	ssyncset.done $0x0  }
0x81: {  	[sflag:s30] =	ssyncadd.s32 $0xFFFFC000  }
0x82: {  	_ =	swait.ge [sflag:s31], $0x4000  }
0x83: {  	[sflag:s31] =	ssyncset.done $0x0  }
0x84: {  	[sflag:s31] =	ssyncadd.s32 $0xFFFFC000  }
0x85: {  	_ =	swait.ge [sflag:s1], $0x4000  }
0x86: {  	[sflag:s1] =	ssyncset.done $0x0  }
0x87: {  	[sflag:s1] =	ssyncadd.s32 $0xFFFFC000  }
0x88: {  	_ =	swait.ge [sflag:s0], $0x4000  }
0x89: {  	[sflag:s0] =	ssyncset.done $0x0  }
0x8a: {  	[sflag:s0] =	ssyncadd.s32 $0xFFFFC000  }
0x8b: {  	_ =	swait.ge [sflag:s19], $0x4000  }
0x8c: {  	[sflag:s19] =	ssyncset.done $0x0  }
0x8d: {  	[sflag:s19] =	ssyncadd.s32 $0xFFFFC000  }
0x8e: {  	_ =	swait.ge [sflag:s20], $0x4000  }
0x8f: {  	[sflag:s20] =	ssyncset.done $0x0  }
0x90: {  	[sflag:s20] =	ssyncadd.s32 $0xFFFFC000  }
0x91: {  	_ =	swait.ge [sflag:s22], $0x4000  }
0x92: {  	s24 =	sadd.s32 $0x1, s24;
	s29 =	rddreg [dreg:$0xa]  }
0x93: {  	p0 =	sne.s32 s24, s29  }
.Ltmp1:
0x94: {  	_ = 	snop;
	(pc) =	sbr.rel @p0 .LBB2_1-.Ltmp1, $3  }
0x95: {  	_ =	sdelay $0x1  }
0x96: {  	[sflag:s22] =	ssyncset.done $0x0  }
0x97: {  	[sflag:s22] =	ssyncadd.s32 $0xFFFFC000  }
0x98: {  	_ =	sfence.sel $0x180000  }
0x99: {  	[bflag:$0x0] =	sbarrier.arrive $0xFFFF  }
0x9a: {  	_ =	strace $0x90000047  }
0x9b: {  	s0 =	stileid.u32;
	[bflag:$0x2] =	sbarrier.arrive $0xFFFF  }
0x9c: {  	p0 =	sne.s32 s0, $0x0;
	s0 =	rddreg [dreg:$0x3]  }
0x9d: {  	s0 =	sadd.s32 @!p0 $0x100000, s0  }
0x9e: {  	[sflag:s0] =	ssyncadd.tile.s32 @!p0 $0x1;
	_ =	shalt  }
.Lfunc_end2:
_tile_overlayer_lowered:
.L_overlay_start_2:
0x9f: {  	(tag) =	ssettag $0x2  }
0xa0: {  	s0 =	rddreg [dreg:$0x0];
	s2 =	stileid.u32  }
0xa1: {  	s1 =	rddreg [dreg:$0x1];
	p0 =	sne.s32 s2, $0x0  }
0xa2: {  	s3 =	rddreg [dreg:$0x2];
	[bflag:$0x3] =	sbarrier.arrive $0xFFFF;
	s2 =	simm.s32 @!p0 $0x1C17  }
0xa3: {  	[timem:s3], [sflag:s2] =	dma.local @!p0 [hbm:s0], s1  }
0xa4: {  	s0 =	simm.s32 @!p0 $0x17  }
0xa5: {  	_ =	swait.ge @!p0 [sflag:s0], s1  }
0xa6: {  	s1 =	ssub.s32 @!p0 $0x0, s1;
	[sflag:s0] =	ssyncset.done @!p0 $0x0  }
0xa7: {  	[sflag:s0] =	ssyncadd.s32 @!p0 s1  }
0xa8: {  	[bflag:$0x3] =	sbarrier.arrive $0xFFFF  }
0xa9: {  	_ =	shalt  }

</sc_bundles>
